<compile_context>
chip_gen: v7x
topology: tpu7x:2x2x1
jax: 0.10.2.dev20260603
libtpu: 0.0.44.dev20260713+nightly
codegen_flags: <defaults>
</compile_context>

<pallas_src>
import functools

import jax
import jax.numpy as jnp
from jax import lax
from jax.experimental import pallas as pl
from jax.experimental.pallas import tpu as pltpu
from jax.experimental.pallas import tpu_sc as plsc

_N_CODES = 8192
_DIM = 32
_TM = 1024
_NC = 512


def _encode_body(x_ref, emb_ref, idx_ref, esq_ref):
    @pl.when(pl.program_id(0) == 0)
    def _():
        emb = emb_ref[...]
        esq_ref[...] = jnp.sum(emb * emb, axis=0, keepdims=True)

    x = x_ref[...]
    xsq = jnp.sum(x * x, axis=1, keepdims=True)
    x2 = 2.0 * x
    tm = x.shape[0]
    colf = lax.broadcasted_iota(jnp.int32, (1, _NC), 1).astype(jnp.float32)

    ms, ifs = [], []
    for c in range(_N_CODES // _NC):
        e_chunk = emb_ref[:, pl.ds(c * _NC, _NC)]
        b_chunk = esq_ref[:, pl.ds(c * _NC, _NC)]
        sim2 = lax.dot_general(x2, e_chunk, (((1,), (0,)), ((), ())),
                               preferred_element_type=jnp.float32)
        d = (xsq + b_chunk) - sim2
        m = jnp.min(d, axis=1, keepdims=True)
        colf_c = colf + jnp.float32(c * _NC)
        i_f = jnp.min(jnp.where(d == m, colf_c, jnp.float32(3.0e38)),
                      axis=1, keepdims=True)
        ms.append(m)
        ifs.append(i_f)
    m_stack = jnp.concatenate(ms, axis=1)
    i_stack = jnp.concatenate(ifs, axis=1)
    m = jnp.min(m_stack, axis=1, keepdims=True)
    i_f = jnp.min(jnp.where(m_stack == m, i_stack, jnp.float32(3.0e38)),
                  axis=1, keepdims=True)
    idx_ref[...] = i_f.astype(jnp.int32)


def _encode(flat, embeddings):
    nb = flat.shape[0] // _TM
    return pl.pallas_call(
        _encode_body,
        grid=(nb,),
        in_specs=[pl.BlockSpec((_TM, _DIM), lambda i: (i, 0)),
                  pl.BlockSpec((_DIM, _N_CODES), lambda i: (0, 0))],
        out_specs=pl.BlockSpec((_TM, 1), lambda i: (i, 0)),
        out_shape=jax.ShapeDtypeStruct((flat.shape[0], 1), jnp.int32),
        scratch_shapes=[pltpu.VMEM((1, _N_CODES), jnp.float32)],
    )(flat, embeddings)


def _gather_sc(table, idx):
    B = idx.shape[0]
    NW = 32
    bpw = B // NW
    mesh = plsc.VectorSubcoreMesh(core_axis_name="c", subcore_axis_name="s")

    @functools.partial(
        pl.kernel, mesh=mesh,
        compiler_params=pltpu.CompilerParams(use_tc_tiling_on_sc=False),
        out_type=jax.ShapeDtypeStruct((B, _DIM), jnp.float32),
        scratch_types=[pltpu.VMEM((bpw,), jnp.int32),
                       pltpu.VMEM((bpw, _DIM), jnp.float32),
                       pltpu.SemaphoreType.DMA],
    )
    def k(table_hbm, idx_hbm, out_hbm, idx_v, rows_v, sem):
        wid = lax.axis_index("s") * 2 + lax.axis_index("c")
        base = wid * bpw
        pltpu.sync_copy(idx_hbm.at[pl.ds(base, bpw)], idx_v)
        for j in range(bpw // 128):
            pltpu.async_copy(
                table_hbm.at[idx_v.at[pl.ds(j * 128, 128)]],
                rows_v.at[pl.ds(j * 128, 128)], sem).wait()
        pltpu.sync_copy(rows_v, out_hbm.at[pl.ds(base, bpw)])

    return k(table, idx)


def kernel(x, embeddings):
    flat = x.reshape(-1, _DIM)
    idx = _encode(flat, embeddings)
    q = _gather_sc(embeddings.T, idx.reshape(-1))
    return q.reshape(x.shape)

# --- scband reference (transcript-rebuilt; emitter-appended) ---
"""Pipeline reference for scband-vector-quantize-23545010717323 (READ-ONLY COPY).

The authoritative reference and input builder live on the scoring server;
editing this copy changes nothing except your own understanding.
"""

import jax, jax.numpy as jnp
import numpy as np

N_EMBEDDINGS = 8192
EMBEDDING_DIM = 32


def setup_inputs(seed: int = 0) -> dict:
    key = jax.random.key(seed)
    k1, k2 = jax.random.split(key)
    x = jax.random.normal(k1, (16, 32, 32, EMBEDDING_DIM), dtype=jnp.float32)
    # keras tf.random_uniform_initializer() default: uniform in [-0.05, 0.05]
    embeddings = jax.random.uniform(k2, (EMBEDDING_DIM, N_EMBEDDINGS), dtype=jnp.float32, minval=-0.05, maxval=0.05)
    return {"x": x, "embeddings": embeddings}


def get_code_indices(flattened, embeddings):
    similarity = flattened @ embeddings
    distance = (jnp.sum(flattened ** 2, axis=1, keepdims=True)
                + jnp.sum(embeddings ** 2, axis=0)
                - 2.0 * similarity)
    return jnp.argmin(distance, axis=1)


def reference(x, embeddings):
    input_shape = x.shape
    flattened = x.reshape(-1, EMBEDDING_DIM)
    encoding_indices = get_code_indices(flattened, embeddings)
    # one_hot @ embeddings^T is exactly a row-gather from embeddings.T
    quantized = jnp.take(embeddings.T, encoding_indices, axis=0)
    quantized = quantized.reshape(input_shape)
    # losses registered via add_loss in the original layer (computed for faithfulness)
    commitment_loss = jnp.mean((jax.lax.stop_gradient(quantized) - x) ** 2)
    codebook_loss = jnp.mean((quantized - jax.lax.stop_gradient(x)) ** 2)
    _ = 0.25 * commitment_loss + codebook_loss
    # straight-through estimator
    quantized = x + jax.lax.stop_gradient(quantized - x)
    return quantized

if __name__ == "__main__":
    import jax
    _d = setup_inputs()
    print(jax.jit(kernel)(*tuple(_d.values())))

</pallas_src>

<mosaic_0001>
#map = affine_map<(d0, d1) -> (0, 0)>
#map1 = affine_map<(d0, d1) -> (0)>
module attributes {stable_mosaic.version = 14 : i64} {
  func.func @k(%arg0: i32, %arg1: i32, %arg2: memref<8192x32xf32, #tpu.memory_space<hbm>>, %arg3: memref<16384xi32, #tpu.memory_space<hbm>>, %arg4: memref<16384x32xf32, #tpu.memory_space<hbm>>, %arg5: memref<512xi32, #tpu.memory_space<vmem>>, %arg6: memref<512x32xf32, #tpu.memory_space<vmem>>, %arg7: memref<!tpu.dma_semaphore, #tpu.memory_space<semaphore_mem>>) attributes {dimension_semantics = [#tpu.dimension_semantics<core_parallel>, #tpu.dimension_semantics<subcore_parallel>], iteration_bounds = array<i64: 2, 16>, scalar_prefetch = 0 : i64, scratch_operands = 3 : i64, tpu.core_type = #tpu.core_type<sc_vector_subcore>, window_params = [{transform_indices = #map}, {transform_indices = #map1}, {transform_indices = #map}]} {
    %mul3A = arith.constant 2 : i32
    %mul3A_0 = arith.muli %arg1, %mul3A : i32
    %add3A = arith.addi %mul3A_0, %arg0 : i32
    %mul3A_1 = arith.constant 512 : i32
    %mul3A_2 = arith.muli %add3A, %mul3A_1 : i32
    "tpu.region"() ({
      %run_scoped3A = tpu.sem_alloc : memref<!tpu.dma_semaphore, #tpu.memory_space<semaphore_mem>>
      %dma_start3A_65 = tpu.memref_slice %arg3[%mul3A_2] : memref<16384xi32, #tpu.memory_space<hbm>> -> memref<512xi32, #tpu.memory_space<hbm>>
      %dma_start3A_66 = tpu.memref_slice %arg3[%mul3A_2] : memref<16384xi32, #tpu.memory_space<hbm>> -> memref<512xi32, #tpu.memory_space<hbm>>
      tpu.enqueue_dma source(%dma_start3A_66 : memref<512xi32, #tpu.memory_space<hbm>>) target(%arg5 : memref<512xi32, #tpu.memory_space<vmem>>) target_semaphore(%run_scoped3A : memref<!tpu.dma_semaphore, #tpu.memory_space<semaphore_mem>>)
      %dma_wait3A_67 = tpu.memref_slice %arg3[%mul3A_2] : memref<16384xi32, #tpu.memory_space<hbm>> -> memref<512xi32, #tpu.memory_space<hbm>>
      %dma_wait3A_68 = tpu.memref_slice %arg3[%mul3A_2] : memref<16384xi32, #tpu.memory_space<hbm>> -> memref<512xi32, #tpu.memory_space<hbm>>
      tpu.wait_dma2 semaphore(%run_scoped3A : memref<!tpu.dma_semaphore, #tpu.memory_space<semaphore_mem>>) src(%dma_wait3A_68 : memref<512xi32, #tpu.memory_space<hbm>>) dst(%arg5 : memref<512xi32, #tpu.memory_space<vmem>>)
      tpu.yield
    }) : () -> ()
    %dma_start3A = arith.constant 0 : i32
    %dma_start3A_3 = arith.constant 0 : i32
    %dma_start3A_4 = tpu.memref_slice %arg6[%dma_start3A, %dma_start3A_3] : memref<512x32xf32, #tpu.memory_space<vmem>> -> memref<128x32xf32, #tpu.memory_space<vmem>>
    %dma_start3A_5 = arith.constant 0 : i32
    %dma_start3A_6 = tpu.memref_slice %arg5[%dma_start3A_5] : memref<512xi32, #tpu.memory_space<vmem>> -> memref<128xi32, #tpu.memory_space<vmem>>
    %dma_start3A_7 = arith.constant 0 : i32
    %dma_start3A_8 = arith.constant 0 : i32
    %dma_start3A_9 = tpu.memref_slice %arg2[%dma_start3A_7, %dma_start3A_8] : memref<8192x32xf32, #tpu.memory_space<hbm>> -> memref<8192x32xf32, #tpu.memory_space<hbm>>
    tpu.enqueue_indirect_dma source(%dma_start3A_9 : memref<8192x32xf32, #tpu.memory_space<hbm>>) target(%dma_start3A_4 : memref<128x32xf32, #tpu.memory_space<vmem>>) offsets(%dma_start3A_6 : memref<128xi32, #tpu.memory_space<vmem>>) semaphore(%arg7 : memref<!tpu.dma_semaphore, #tpu.memory_space<semaphore_mem>>)
    %dma_wait3A = arith.constant 0 : i32
    %dma_wait3A_10 = arith.constant 0 : i32
    %dma_wait3A_11 = tpu.memref_slice %arg6[%dma_wait3A, %dma_wait3A_10] : memref<512x32xf32, #tpu.memory_space<vmem>> -> memref<128x32xf32, #tpu.memory_space<vmem>>
    %dma_wait3A_12 = arith.constant 0 : i32
    %dma_wait3A_13 = tpu.memref_slice %arg5[%dma_wait3A_12] : memref<512xi32, #tpu.memory_space<vmem>> -> memref<128xi32, #tpu.memory_space<vmem>>
    %dma_wait3A_14 = arith.constant 0 : i32
    %dma_wait3A_15 = arith.constant 0 : i32
    %dma_wait3A_16 = tpu.memref_slice %arg2[%dma_wait3A_14, %dma_wait3A_15] : memref<8192x32xf32, #tpu.memory_space<hbm>> -> memref<8192x32xf32, #tpu.memory_space<hbm>>
    tpu.wait_indirect_dma semaphore(%arg7 : memref<!tpu.dma_semaphore, #tpu.memory_space<semaphore_mem>>) src(%dma_wait3A_16 : memref<8192x32xf32, #tpu.memory_space<hbm>>) dst(%dma_wait3A_11 : memref<128x32xf32, #tpu.memory_space<vmem>>)
    %dma_start3A_17 = arith.constant 128 : i32
    %dma_start3A_18 = arith.constant 0 : i32
    %dma_start3A_19 = tpu.memref_slice %arg6[%dma_start3A_17, %dma_start3A_18] : memref<512x32xf32, #tpu.memory_space<vmem>> -> memref<128x32xf32, #tpu.memory_space<vmem>>
    %dma_start3A_20 = arith.constant 128 : i32
    %dma_start3A_21 = tpu.memref_slice %arg5[%dma_start3A_20] : memref<512xi32, #tpu.memory_space<vmem>> -> memref<128xi32, #tpu.memory_space<vmem>>
    %dma_start3A_22 = arith.constant 0 : i32
    %dma_start3A_23 = arith.constant 0 : i32
    %dma_start3A_24 = tpu.memref_slice %arg2[%dma_start3A_22, %dma_start3A_23] : memref<8192x32xf32, #tpu.memory_space<hbm>> -> memref<8192x32xf32, #tpu.memory_space<hbm>>
    tpu.enqueue_indirect_dma source(%dma_start3A_24 : memref<8192x32xf32, #tpu.memory_space<hbm>>) target(%dma_start3A_19 : memref<128x32xf32, #tpu.memory_space<vmem>>) offsets(%dma_start3A_21 : memref<128xi32, #tpu.memory_space<vmem>>) semaphore(%arg7 : memref<!tpu.dma_semaphore, #tpu.memory_space<semaphore_mem>>)
    %dma_wait3A_25 = arith.constant 128 : i32
    %dma_wait3A_26 = arith.constant 0 : i32
    %dma_wait3A_27 = tpu.memref_slice %arg6[%dma_wait3A_25, %dma_wait3A_26] : memref<512x32xf32, #tpu.memory_space<vmem>> -> memref<128x32xf32, #tpu.memory_space<vmem>>
    %dma_wait3A_28 = arith.constant 128 : i32
    %dma_wait3A_29 = tpu.memref_slice %arg5[%dma_wait3A_28] : memref<512xi32, #tpu.memory_space<vmem>> -> memref<128xi32, #tpu.memory_space<vmem>>
    %dma_wait3A_30 = arith.constant 0 : i32
    %dma_wait3A_31 = arith.constant 0 : i32
    %dma_wait3A_32 = tpu.memref_slice %arg2[%dma_wait3A_30, %dma_wait3A_31] : memref<8192x32xf32, #tpu.memory_space<hbm>> -> memref<8192x32xf32, #tpu.memory_space<hbm>>
    tpu.wait_indirect_dma semaphore(%arg7 : memref<!tpu.dma_semaphore, #tpu.memory_space<semaphore_mem>>) src(%dma_wait3A_32 : memref<8192x32xf32, #tpu.memory_space<hbm>>) dst(%dma_wait3A_27 : memref<128x32xf32, #tpu.memory_space<vmem>>)
    %dma_start3A_33 = arith.constant 256 : i32
    %dma_start3A_34 = arith.constant 0 : i32
    %dma_start3A_35 = tpu.memref_slice %arg6[%dma_start3A_33, %dma_start3A_34] : memref<512x32xf32, #tpu.memory_space<vmem>> -> memref<128x32xf32, #tpu.memory_space<vmem>>
    %dma_start3A_36 = arith.constant 256 : i32
    %dma_start3A_37 = tpu.memref_slice %arg5[%dma_start3A_36] : memref<512xi32, #tpu.memory_space<vmem>> -> memref<128xi32, #tpu.memory_space<vmem>>
    %dma_start3A_38 = arith.constant 0 : i32
    %dma_start3A_39 = arith.constant 0 : i32
    %dma_start3A_40 = tpu.memref_slice %arg2[%dma_start3A_38, %dma_start3A_39] : memref<8192x32xf32, #tpu.memory_space<hbm>> -> memref<8192x32xf32, #tpu.memory_space<hbm>>
    tpu.enqueue_indirect_dma source(%dma_start3A_40 : memref<8192x32xf32, #tpu.memory_space<hbm>>) target(%dma_start3A_35 : memref<128x32xf32, #tpu.memory_space<vmem>>) offsets(%dma_start3A_37 : memref<128xi32, #tpu.memory_space<vmem>>) semaphore(%arg7 : memref<!tpu.dma_semaphore, #tpu.memory_space<semaphore_mem>>)
    %dma_wait3A_41 = arith.constant 256 : i32
    %dma_wait3A_42 = arith.constant 0 : i32
    %dma_wait3A_43 = tpu.memref_slice %arg6[%dma_wait3A_41, %dma_wait3A_42] : memref<512x32xf32, #tpu.memory_space<vmem>> -> memref<128x32xf32, #tpu.memory_space<vmem>>
    %dma_wait3A_44 = arith.constant 256 : i32
    %dma_wait3A_45 = tpu.memref_slice %arg5[%dma_wait3A_44] : memref<512xi32, #tpu.memory_space<vmem>> -> memref<128xi32, #tpu.memory_space<vmem>>
    %dma_wait3A_46 = arith.constant 0 : i32
    %dma_wait3A_47 = arith.constant 0 : i32
    %dma_wait3A_48 = tpu.memref_slice %arg2[%dma_wait3A_46, %dma_wait3A_47] : memref<8192x32xf32, #tpu.memory_space<hbm>> -> memref<8192x32xf32, #tpu.memory_space<hbm>>
    tpu.wait_indirect_dma semaphore(%arg7 : memref<!tpu.dma_semaphore, #tpu.memory_space<semaphore_mem>>) src(%dma_wait3A_48 : memref<8192x32xf32, #tpu.memory_space<hbm>>) dst(%dma_wait3A_43 : memref<128x32xf32, #tpu.memory_space<vmem>>)
    %dma_start3A_49 = arith.constant 384 : i32
    %dma_start3A_50 = arith.constant 0 : i32
    %dma_start3A_51 = tpu.memref_slice %arg6[%dma_start3A_49, %dma_start3A_50] : memref<512x32xf32, #tpu.memory_space<vmem>> -> memref<128x32xf32, #tpu.memory_space<vmem>>
    %dma_start3A_52 = arith.constant 384 : i32
    %dma_start3A_53 = tpu.memref_slice %arg5[%dma_start3A_52] : memref<512xi32, #tpu.memory_space<vmem>> -> memref<128xi32, #tpu.memory_space<vmem>>
    %dma_start3A_54 = arith.constant 0 : i32
    %dma_start3A_55 = arith.constant 0 : i32
    %dma_start3A_56 = tpu.memref_slice %arg2[%dma_start3A_54, %dma_start3A_55] : memref<8192x32xf32, #tpu.memory_space<hbm>> -> memref<8192x32xf32, #tpu.memory_space<hbm>>
    tpu.enqueue_indirect_dma source(%dma_start3A_56 : memref<8192x32xf32, #tpu.memory_space<hbm>>) target(%dma_start3A_51 : memref<128x32xf32, #tpu.memory_space<vmem>>) offsets(%dma_start3A_53 : memref<128xi32, #tpu.memory_space<vmem>>) semaphore(%arg7 : memref<!tpu.dma_semaphore, #tpu.memory_space<semaphore_mem>>)
    %dma_wait3A_57 = arith.constant 384 : i32
    %dma_wait3A_58 = arith.constant 0 : i32
    %dma_wait3A_59 = tpu.memref_slice %arg6[%dma_wait3A_57, %dma_wait3A_58] : memref<512x32xf32, #tpu.memory_space<vmem>> -> memref<128x32xf32, #tpu.memory_space<vmem>>
    %dma_wait3A_60 = arith.constant 384 : i32
    %dma_wait3A_61 = tpu.memref_slice %arg5[%dma_wait3A_60] : memref<512xi32, #tpu.memory_space<vmem>> -> memref<128xi32, #tpu.memory_space<vmem>>
    %dma_wait3A_62 = arith.constant 0 : i32
    %dma_wait3A_63 = arith.constant 0 : i32
    %dma_wait3A_64 = tpu.memref_slice %arg2[%dma_wait3A_62, %dma_wait3A_63] : memref<8192x32xf32, #tpu.memory_space<hbm>> -> memref<8192x32xf32, #tpu.memory_space<hbm>>
    tpu.wait_indirect_dma semaphore(%arg7 : memref<!tpu.dma_semaphore, #tpu.memory_space<semaphore_mem>>) src(%dma_wait3A_64 : memref<8192x32xf32, #tpu.memory_space<hbm>>) dst(%dma_wait3A_59 : memref<128x32xf32, #tpu.memory_space<vmem>>)
    "tpu.region"() ({
      %run_scoped3A = tpu.sem_alloc : memref<!tpu.dma_semaphore, #tpu.memory_space<semaphore_mem>>
      %dma_start3A_65 = arith.constant 0 : i32
      %dma_start3A_66 = tpu.memref_slice %arg4[%mul3A_2, %dma_start3A_65] : memref<16384x32xf32, #tpu.memory_space<hbm>> -> memref<512x32xf32, #tpu.memory_space<hbm>>
      %dma_start3A_67 = arith.constant 0 : i32
      %dma_start3A_68 = tpu.memref_slice %arg4[%mul3A_2, %dma_start3A_67] : memref<16384x32xf32, #tpu.memory_space<hbm>> -> memref<512x32xf32, #tpu.memory_space<hbm>>
      tpu.enqueue_dma source(%arg6 : memref<512x32xf32, #tpu.memory_space<vmem>>) target(%dma_start3A_68 : memref<512x32xf32, #tpu.memory_space<hbm>>) target_semaphore(%run_scoped3A : memref<!tpu.dma_semaphore, #tpu.memory_space<semaphore_mem>>)
      %dma_wait3A_69 = arith.constant 0 : i32
      %dma_wait3A_70 = tpu.memref_slice %arg4[%mul3A_2, %dma_wait3A_69] : memref<16384x32xf32, #tpu.memory_space<hbm>> -> memref<512x32xf32, #tpu.memory_space<hbm>>
      %dma_wait3A_71 = arith.constant 0 : i32
      %dma_wait3A_72 = tpu.memref_slice %arg4[%mul3A_2, %dma_wait3A_71] : memref<16384x32xf32, #tpu.memory_space<hbm>> -> memref<512x32xf32, #tpu.memory_space<hbm>>
      tpu.wait_dma2 semaphore(%run_scoped3A : memref<!tpu.dma_semaphore, #tpu.memory_space<semaphore_mem>>) src(%arg6 : memref<512x32xf32, #tpu.memory_space<vmem>>) dst(%dma_wait3A_72 : memref<512x32xf32, #tpu.memory_space<hbm>>)
      tpu.yield
    }) : () -> ()
    return
  }
}

module attributes {stable_mosaic.version = 14 : i64} {
  func.func @_encode_body(%arg0: i32, %arg1: memref<1024x32xf32, #tpu.memory_space<vmem>>, %arg2: memref<32x8192xf32, #tpu.memory_space<vmem>>, %arg3: memref<1024x1xi32, #tpu.memory_space<vmem>>, %arg4: memref<1x8192xf32, #tpu.memory_space<vmem>>) attributes {dimension_semantics = [#tpu.dimension_semantics<arbitrary>], iteration_bounds = array<i64: 16>, scalar_prefetch = 0 : i64, scratch_operands = 1 : i64, tpu.core_type = #tpu.core_type<tc>, window_params = [{transform_indices = @transform_0, window_bounds = array<i64: 1024, 32>}, {pipeline_mode = #tpu.pipeline_mode<synchronous>, transform_indices = @transform_1, window_bounds = array<i64: 32, 8192>}, {transform_indices = @transform_2, window_bounds = array<i64: 1024, 1>}]} {
    %eq3A = arith.constant 0 : i32
    %eq3A_0 = arith.cmpi eq, %arg0, %eq3A : i32
    %convert_element_type3A = arith.extui %eq3A_0 : i1 to i32
    %cond3A = arith.constant 0 : i32
    %cond3A_1 = arith.cmpi ne, %convert_element_type3A, %cond3A : i32
    scf.if %cond3A_1 {
      %get3A_466 = arith.constant 0 : index
      %get3A_467 = arith.constant 0 : index
      %get3A_468 = vector.load %arg2[%get3A_466, %get3A_467] : memref<32x8192xf32, #tpu.memory_space<vmem>>, vector<32x8192xf32>
      %mul3A_469 = arith.mulf %get3A_468, %get3A_468 : vector<32x8192xf32>
      %reduce_sum3A_470 = arith.constant dense<0.000000e+00> : vector<8192xf32>
      %reduce_sum3A_471 = vector.multi_reduction <add>, %mul3A_469, %reduce_sum3A_470 [0] : vector<32x8192xf32> to vector<8192xf32>
      %broadcast_in_dim3A_472 = vector.shape_cast %reduce_sum3A_471 : vector<8192xf32> to vector<1x8192xf32>
      %swap3A_473 = arith.constant 0 : index
      %swap3A_474 = arith.constant 0 : index
      %swap3A_475 = vector.load %arg4[%swap3A_473, %swap3A_474] : memref<1x8192xf32, #tpu.memory_space<vmem>>, vector<1x8192xf32>
      tpu.vector_store %arg4[%swap3A_473, %swap3A_474], %broadcast_in_dim3A_472 {strides = array<i32>} : memref<1x8192xf32, #tpu.memory_space<vmem>>, vector<1x8192xf32>,
    } else {
    }
    %get3A = arith.constant 0 : index
    %get3A_2 = arith.constant 0 : index
    %get3A_3 = vector.load %arg1[%get3A, %get3A_2] : memref<1024x32xf32, #tpu.memory_space<vmem>>, vector<1024x32xf32>
    %mul3A = arith.mulf %get3A_3, %get3A_3 : vector<1024x32xf32>
    %reduce_sum3A = arith.constant dense<0.000000e+00> : vector<1024xf32>
    %reduce_sum3A_4 = vector.multi_reduction <add>, %mul3A, %reduce_sum3A [1] : vector<1024x32xf32> to vector<1024xf32>
    %broadcast_in_dim3A = vector.shape_cast %reduce_sum3A_4 : vector<1024xf32> to vector<1024x1xf32>
    %mul3A_5 = arith.constant 2.000000e+00 : f32
    %mul3A_6 = vector.broadcast %mul3A_5 : f32 to vector<1024x32xf32>
    %mul3A_7 = arith.mulf %mul3A_6, %get3A_3 : vector<1024x32xf32>
    %iota3A = tpu.iota {dimensions = array<i32: 1>} : vector<1x512xi32>
    %convert_element_type3A_8 = arith.sitofp %iota3A : vector<1x512xi32> to vector<1x512xf32>
    %get3A_9 = arith.constant 0 : index
    %get3A_10 = arith.constant 0 : index
    %get3A_11 = vector.load %arg2[%get3A_9, %get3A_10] : memref<32x8192xf32, #tpu.memory_space<vmem>>, vector<32x512xf32>
    %get3A_12 = arith.constant 0 : index
    %get3A_13 = arith.constant 0 : index
    %get3A_14 = vector.load %arg4[%get3A_12, %get3A_13] : memref<1x8192xf32, #tpu.memory_space<vmem>>, vector<1x512xf32>
    %dot_general3A = arith.constant dense<0.000000e+00> : vector<1024x512xf32>
    %dot_general3A_15 = tpu.matmul %mul3A_7, %get3A_11, %dot_general3A {dimension_numbers = #tpu.dot_dimension_numbers<[1], [0], [0], [1], [0, 0, 1, 1], [], []>, transpose_lhs_hint = false} : vector<1024x32xf32>, vector<32x512xf32>, vector<1024x512xf32> -> vector<1024x512xf32>
    %add3A = vector.broadcast %broadcast_in_dim3A : vector<1024x1xf32> to vector<1024x512xf32>
    %add3A_16 = vector.broadcast %get3A_14 : vector<1x512xf32> to vector<1024x512xf32>
    %add3A_17 = arith.addf %add3A, %add3A_16 : vector<1024x512xf32>
    %sub3A = arith.subf %add3A_17, %dot_general3A_15 : vector<1024x512xf32>
    %reduce_min3A = arith.constant dense<0x7F800000> : vector<1024xf32>
    %reduce_min3A_18 = vector.multi_reduction <minimumf>, %sub3A, %reduce_min3A [1] : vector<1024x512xf32> to vector<1024xf32>
    %broadcast_in_dim3A_19 = vector.shape_cast %reduce_min3A_18 : vector<1024xf32> to vector<1024x1xf32>
    %add3A_20 = arith.constant 0.000000e+00 : f32
    %add3A_21 = vector.broadcast %add3A_20 : f32 to vector<1x512xf32>
    %add3A_22 = arith.addf %convert_element_type3A_8, %add3A_21 : vector<1x512xf32>
    %eq3A_23 = vector.broadcast %broadcast_in_dim3A_19 : vector<1024x1xf32> to vector<1024x512xf32>
    %eq3A_24 = arith.cmpf oeq, %sub3A, %eq3A_23 : vector<1024x512xf32>
    %jit3A = arith.constant 3.000000e+38 : f32
    %broadcast_in_dim3A_25 = vector.shape_cast %add3A_22 : vector<1x512xf32> to vector<1x512xf32>
    %broadcast_in_dim3A_26 = vector.broadcast %broadcast_in_dim3A_25 : vector<1x512xf32> to vector<1024x512xf32>
    %broadcast_in_dim3A_27 = vector.broadcast %jit3A : f32 to vector<1024x512xf32>
    %select_n3A = arith.select %eq3A_24, %broadcast_in_dim3A_26, %broadcast_in_dim3A_27 : vector<1024x512xi1>, vector<1024x512xf32>
    %reduce_min3A_28 = arith.constant dense<0x7F800000> : vector<1024xf32>
    %reduce_min3A_29 = vector.multi_reduction <minimumf>, %select_n3A, %reduce_min3A_28 [1] : vector<1024x512xf32> to vector<1024xf32>
    %broadcast_in_dim3A_30 = vector.shape_cast %reduce_min3A_29 : vector<1024xf32> to vector<1024x1xf32>
    %get3A_31 = arith.constant 0 : index
    %get3A_32 = arith.constant 512 : index
    %get3A_33 = vector.load %arg2[%get3A_31, %get3A_32] : memref<32x8192xf32, #tpu.memory_space<vmem>>, vector<32x512xf32>
    %get3A_34 = arith.constant 0 : index
    %get3A_35 = arith.constant 512 : index
    %get3A_36 = vector.load %arg4[%get3A_34, %get3A_35] : memref<1x8192xf32, #tpu.memory_space<vmem>>, vector<1x512xf32>
    %dot_general3A_37 = arith.constant dense<0.000000e+00> : vector<1024x512xf32>
    %dot_general3A_38 = tpu.matmul %mul3A_7, %get3A_33, %dot_general3A_37 {dimension_numbers = #tpu.dot_dimension_numbers<[1], [0], [0], [1], [0, 0, 1, 1], [], []>, transpose_lhs_hint = false} : vector<1024x32xf32>, vector<32x512xf32>, vector<1024x512xf32> -> vector<1024x512xf32>
    %add3A_39 = vector.broadcast %broadcast_in_dim3A : vector<1024x1xf32> to vector<1024x512xf32>
    %add3A_40 = vector.broadcast %get3A_36 : vector<1x512xf32> to vector<1024x512xf32>
    %add3A_41 = arith.addf %add3A_39, %add3A_40 : vector<1024x512xf32>
    %sub3A_42 = arith.subf %add3A_41, %dot_general3A_38 : vector<1024x512xf32>
    %reduce_min3A_43 = arith.constant dense<0x7F800000> : vector<1024xf32>
    %reduce_min3A_44 = vector.multi_reduction <minimumf>, %sub3A_42, %reduce_min3A_43 [1] : vector<1024x512xf32> to vector<1024xf32>
    %broadcast_in_dim3A_45 = vector.shape_cast %reduce_min3A_44 : vector<1024xf32> to vector<1024x1xf32>
    %add3A_46 = arith.constant 5.120000e+02 : f32
    %add3A_47 = vector.broadcast %add3A_46 : f32 to vector<1x512xf32>
    %add3A_48 = arith.addf %convert_element_type3A_8, %add3A_47 : vector<1x512xf32>
    %eq3A_49 = vector.broadcast %broadcast_in_dim3A_45 : vector<1024x1xf32> to vector<1024x512xf32>
    %eq3A_50 = arith.cmpf oeq, %sub3A_42, %eq3A_49 : vector<1024x512xf32>
    %jit3A_51 = arith.constant 3.000000e+38 : f32
    %broadcast_in_dim3A_52 = vector.shape_cast %add3A_48 : vector<1x512xf32> to vector<1x512xf32>
    %broadcast_in_dim3A_53 = vector.broadcast %broadcast_in_dim3A_52 : vector<1x512xf32> to vector<1024x512xf32>
    %broadcast_in_dim3A_54 = vector.broadcast %jit3A_51 : f32 to vector<1024x512xf32>
    %select_n3A_55 = arith.select %eq3A_50, %broadcast_in_dim3A_53, %broadcast_in_dim3A_54 : vector<1024x512xi1>, vector<1024x512xf32>
    %reduce_min3A_56 = arith.constant dense<0x7F800000> : vector<1024xf32>
    %reduce_min3A_57 = vector.multi_reduction <minimumf>, %select_n3A_55, %reduce_min3A_56 [1] : vector<1024x512xf32> to vector<1024xf32>
    %broadcast_in_dim3A_58 = vector.shape_cast %reduce_min3A_57 : vector<1024xf32> to vector<1024x1xf32>
    %get3A_59 = arith.constant 0 : index
    %get3A_60 = arith.constant 1024 : index
    %get3A_61 = vector.load %arg2[%get3A_59, %get3A_60] : memref<32x8192xf32, #tpu.memory_space<vmem>>, vector<32x512xf32>
    %get3A_62 = arith.constant 0 : index
    %get3A_63 = arith.constant 1024 : index
    %get3A_64 = vector.load %arg4[%get3A_62, %get3A_63] : memref<1x8192xf32, #tpu.memory_space<vmem>>, vector<1x512xf32>
    %dot_general3A_65 = arith.constant dense<0.000000e+00> : vector<1024x512xf32>
    %dot_general3A_66 = tpu.matmul %mul3A_7, %get3A_61, %dot_general3A_65 {dimension_numbers = #tpu.dot_dimension_numbers<[1], [0], [0], [1], [0, 0, 1, 1], [], []>, transpose_lhs_hint = false} : vector<1024x32xf32>, vector<32x512xf32>, vector<1024x512xf32> -> vector<1024x512xf32>
    %add3A_67 = vector.broadcast %broadcast_in_dim3A : vector<1024x1xf32> to vector<1024x512xf32>
    %add3A_68 = vector.broadcast %get3A_64 : vector<1x512xf32> to vector<1024x512xf32>
    %add3A_69 = arith.addf %add3A_67, %add3A_68 : vector<1024x512xf32>
    %sub3A_70 = arith.subf %add3A_69, %dot_general3A_66 : vector<1024x512xf32>
    %reduce_min3A_71 = arith.constant dense<0x7F800000> : vector<1024xf32>
    %reduce_min3A_72 = vector.multi_reduction <minimumf>, %sub3A_70, %reduce_min3A_71 [1] : vector<1024x512xf32> to vector<1024xf32>
    %broadcast_in_dim3A_73 = vector.shape_cast %reduce_min3A_72 : vector<1024xf32> to vector<1024x1xf32>
    %add3A_74 = arith.constant 1.024000e+03 : f32
    %add3A_75 = vector.broadcast %add3A_74 : f32 to vector<1x512xf32>
    %add3A_76 = arith.addf %convert_element_type3A_8, %add3A_75 : vector<1x512xf32>
    %eq3A_77 = vector.broadcast %broadcast_in_dim3A_73 : vector<1024x1xf32> to vector<1024x512xf32>
    %eq3A_78 = arith.cmpf oeq, %sub3A_70, %eq3A_77 : vector<1024x512xf32>
    %jit3A_79 = arith.constant 3.000000e+38 : f32
    %broadcast_in_dim3A_80 = vector.shape_cast %add3A_76 : vector<1x512xf32> to vector<1x512xf32>
    %broadcast_in_dim3A_81 = vector.broadcast %broadcast_in_dim3A_80 : vector<1x512xf32> to vector<1024x512xf32>
    %broadcast_in_dim3A_82 = vector.broadcast %jit3A_79 : f32 to vector<1024x512xf32>
    %select_n3A_83 = arith.select %eq3A_78, %broadcast_in_dim3A_81, %broadcast_in_dim3A_82 : vector<1024x512xi1>, vector<1024x512xf32>
    %reduce_min3A_84 = arith.constant dense<0x7F800000> : vector<1024xf32>
    %reduce_min3A_85 = vector.multi_reduction <minimumf>, %select_n3A_83, %reduce_min3A_84 [1] : vector<1024x512xf32> to vector<1024xf32>
    %broadcast_in_dim3A_86 = vector.shape_cast %reduce_min3A_85 : vector<1024xf32> to vector<1024x1xf32>
    %get3A_87 = arith.constant 0 : index
    %get3A_88 = arith.constant 1536 : index
    %get3A_89 = vector.load %arg2[%get3A_87, %get3A_88] : memref<32x8192xf32, #tpu.memory_space<vmem>>, vector<32x512xf32>
    %get3A_90 = arith.constant 0 : index
    %get3A_91 = arith.constant 1536 : index
    %get3A_92 = vector.load %arg4[%get3A_90, %get3A_91] : memref<1x8192xf32, #tpu.memory_space<vmem>>, vector<1x512xf32>
    %dot_general3A_93 = arith.constant dense<0.000000e+00> : vector<1024x512xf32>
    %dot_general3A_94 = tpu.matmul %mul3A_7, %get3A_89, %dot_general3A_93 {dimension_numbers = #tpu.dot_dimension_numbers<[1], [0], [0], [1], [0, 0, 1, 1], [], []>, transpose_lhs_hint = false} : vector<1024x32xf32>, vector<32x512xf32>, vector<1024x512xf32> -> vector<1024x512xf32>
    %add3A_95 = vector.broadcast %broadcast_in_dim3A : vector<1024x1xf32> to vector<1024x512xf32>
    %add3A_96 = vector.broadcast %get3A_92 : vector<1x512xf32> to vector<1024x512xf32>
    %add3A_97 = arith.addf %add3A_95, %add3A_96 : vector<1024x512xf32>
    %sub3A_98 = arith.subf %add3A_97, %dot_general3A_94 : vector<1024x512xf32>
    %reduce_min3A_99 = arith.constant dense<0x7F800000> : vector<1024xf32>
    %reduce_min3A_100 = vector.multi_reduction <minimumf>, %sub3A_98, %reduce_min3A_99 [1] : vector<1024x512xf32> to vector<1024xf32>
    %broadcast_in_dim3A_101 = vector.shape_cast %reduce_min3A_100 : vector<1024xf32> to vector<1024x1xf32>
    %add3A_102 = arith.constant 1.536000e+03 : f32
    %add3A_103 = vector.broadcast %add3A_102 : f32 to vector<1x512xf32>
    %add3A_104 = arith.addf %convert_element_type3A_8, %add3A_103 : vector<1x512xf32>
    %eq3A_105 = vector.broadcast %broadcast_in_dim3A_101 : vector<1024x1xf32> to vector<1024x512xf32>
    %eq3A_106 = arith.cmpf oeq, %sub3A_98, %eq3A_105 : vector<1024x512xf32>
    %jit3A_107 = arith.constant 3.000000e+38 : f32
    %broadcast_in_dim3A_108 = vector.shape_cast %add3A_104 : vector<1x512xf32> to vector<1x512xf32>
    %broadcast_in_dim3A_109 = vector.broadcast %broadcast_in_dim3A_108 : vector<1x512xf32> to vector<1024x512xf32>
    %broadcast_in_dim3A_110 = vector.broadcast %jit3A_107 : f32 to vector<1024x512xf32>
    %select_n3A_111 = arith.select %eq3A_106, %broadcast_in_dim3A_109, %broadcast_in_dim3A_110 : vector<1024x512xi1>, vector<1024x512xf32>
    %reduce_min3A_112 = arith.constant dense<0x7F800000> : vector<1024xf32>
    %reduce_min3A_113 = vector.multi_reduction <minimumf>, %select_n3A_111, %reduce_min3A_112 [1] : vector<1024x512xf32> to vector<1024xf32>
    %broadcast_in_dim3A_114 = vector.shape_cast %reduce_min3A_113 : vector<1024xf32> to vector<1024x1xf32>
    %get3A_115 = arith.constant 0 : index
    %get3A_116 = arith.constant 2048 : index
    %get3A_117 = vector.load %arg2[%get3A_115, %get3A_116] : memref<32x8192xf32, #tpu.memory_space<vmem>>, vector<32x512xf32>
    %get3A_118 = arith.constant 0 : index
    %get3A_119 = arith.constant 2048 : index
    %get3A_120 = vector.load %arg4[%get3A_118, %get3A_119] : memref<1x8192xf32, #tpu.memory_space<vmem>>, vector<1x512xf32>
    %dot_general3A_121 = arith.constant dense<0.000000e+00> : vector<1024x512xf32>
    %dot_general3A_122 = tpu.matmul %mul3A_7, %get3A_117, %dot_general3A_121 {dimension_numbers = #tpu.dot_dimension_numbers<[1], [0], [0], [1], [0, 0, 1, 1], [], []>, transpose_lhs_hint = false} : vector<1024x32xf32>, vector<32x512xf32>, vector<1024x512xf32> -> vector<1024x512xf32>
    %add3A_123 = vector.broadcast %broadcast_in_dim3A : vector<1024x1xf32> to vector<1024x512xf32>
    %add3A_124 = vector.broadcast %get3A_120 : vector<1x512xf32> to vector<1024x512xf32>
    %add3A_125 = arith.addf %add3A_123, %add3A_124 : vector<1024x512xf32>
    %sub3A_126 = arith.subf %add3A_125, %dot_general3A_122 : vector<1024x512xf32>
    %reduce_min3A_127 = arith.constant dense<0x7F800000> : vector<1024xf32>
    %reduce_min3A_128 = vector.multi_reduction <minimumf>, %sub3A_126, %reduce_min3A_127 [1] : vector<1024x512xf32> to vector<1024xf32>
    %broadcast_in_dim3A_129 = vector.shape_cast %reduce_min3A_128 : vector<1024xf32> to vector<1024x1xf32>
    %add3A_130 = arith.constant 2.048000e+03 : f32
    %add3A_131 = vector.broadcast %add3A_130 : f32 to vector<1x512xf32>
    %add3A_132 = arith.addf %convert_element_type3A_8, %add3A_131 : vector<1x512xf32>
    %eq3A_133 = vector.broadcast %broadcast_in_dim3A_129 : vector<1024x1xf32> to vector<1024x512xf32>
    %eq3A_134 = arith.cmpf oeq, %sub3A_126, %eq3A_133 : vector<1024x512xf32>
    %jit3A_135 = arith.constant 3.000000e+38 : f32
    %broadcast_in_dim3A_136 = vector.shape_cast %add3A_132 : vector<1x512xf32> to vector<1x512xf32>
    %broadcast_in_dim3A_137 = vector.broadcast %broadcast_in_dim3A_136 : vector<1x512xf32> to vector<1024x512xf32>
    %broadcast_in_dim3A_138 = vector.broadcast %jit3A_135 : f32 to vector<1024x512xf32>
    %select_n3A_139 = arith.select %eq3A_134, %broadcast_in_dim3A_137, %broadcast_in_dim3A_138 : vector<1024x512xi1>, vector<1024x512xf32>
    %reduce_min3A_140 = arith.constant dense<0x7F800000> : vector<1024xf32>
    %reduce_min3A_141 = vector.multi_reduction <minimumf>, %select_n3A_139, %reduce_min3A_140 [1] : vector<1024x512xf32> to vector<1024xf32>
    %broadcast_in_dim3A_142 = vector.shape_cast %reduce_min3A_141 : vector<1024xf32> to vector<1024x1xf32>
    %get3A_143 = arith.constant 0 : index
    %get3A_144 = arith.constant 2560 : index
    %get3A_145 = vector.load %arg2[%get3A_143, %get3A_144] : memref<32x8192xf32, #tpu.memory_space<vmem>>, vector<32x512xf32>
    %get3A_146 = arith.constant 0 : index
    %get3A_147 = arith.constant 2560 : index
    %get3A_148 = vector.load %arg4[%get3A_146, %get3A_147] : memref<1x8192xf32, #tpu.memory_space<vmem>>, vector<1x512xf32>
    %dot_general3A_149 = arith.constant dense<0.000000e+00> : vector<1024x512xf32>
    %dot_general3A_150 = tpu.matmul %mul3A_7, %get3A_145, %dot_general3A_149 {dimension_numbers = #tpu.dot_dimension_numbers<[1], [0], [0], [1], [0, 0, 1, 1], [], []>, transpose_lhs_hint = false} : vector<1024x32xf32>, vector<32x512xf32>, vector<1024x512xf32> -> vector<1024x512xf32>
    %add3A_151 = vector.broadcast %broadcast_in_dim3A : vector<1024x1xf32> to vector<1024x512xf32>
    %add3A_152 = vector.broadcast %get3A_148 : vector<1x512xf32> to vector<1024x512xf32>
    %add3A_153 = arith.addf %add3A_151, %add3A_152 : vector<1024x512xf32>
    %sub3A_154 = arith.subf %add3A_153, %dot_general3A_150 : vector<1024x512xf32>
    %reduce_min3A_155 = arith.constant dense<0x7F800000> : vector<1024xf32>
    %reduce_min3A_156 = vector.multi_reduction <minimumf>, %sub3A_154, %reduce_min3A_155 [1] : vector<1024x512xf32> to vector<1024xf32>
    %broadcast_in_dim3A_157 = vector.shape_cast %reduce_min3A_156 : vector<1024xf32> to vector<1024x1xf32>
    %add3A_158 = arith.constant 2.560000e+03 : f32
    %add3A_159 = vector.broadcast %add3A_158 : f32 to vector<1x512xf32>
    %add3A_160 = arith.addf %convert_element_type3A_8, %add3A_159 : vector<1x512xf32>
    %eq3A_161 = vector.broadcast %broadcast_in_dim3A_157 : vector<1024x1xf32> to vector<1024x512xf32>
    %eq3A_162 = arith.cmpf oeq, %sub3A_154, %eq3A_161 : vector<1024x512xf32>
    %jit3A_163 = arith.constant 3.000000e+38 : f32
    %broadcast_in_dim3A_164 = vector.shape_cast %add3A_160 : vector<1x512xf32> to vector<1x512xf32>
    %broadcast_in_dim3A_165 = vector.broadcast %broadcast_in_dim3A_164 : vector<1x512xf32> to vector<1024x512xf32>
    %broadcast_in_dim3A_166 = vector.broadcast %jit3A_163 : f32 to vector<1024x512xf32>
    %select_n3A_167 = arith.select %eq3A_162, %broadcast_in_dim3A_165, %broadcast_in_dim3A_166 : vector<1024x512xi1>, vector<1024x512xf32>
    %reduce_min3A_168 = arith.constant dense<0x7F800000> : vector<1024xf32>
    %reduce_min3A_169 = vector.multi_reduction <minimumf>, %select_n3A_167, %reduce_min3A_168 [1] : vector<1024x512xf32> to vector<1024xf32>
    %broadcast_in_dim3A_170 = vector.shape_cast %reduce_min3A_169 : vector<1024xf32> to vector<1024x1xf32>
    %get3A_171 = arith.constant 0 : index
    %get3A_172 = arith.constant 3072 : index
    %get3A_173 = vector.load %arg2[%get3A_171, %get3A_172] : memref<32x8192xf32, #tpu.memory_space<vmem>>, vector<32x512xf32>
    %get3A_174 = arith.constant 0 : index
    %get3A_175 = arith.constant 3072 : index
    %get3A_176 = vector.load %arg4[%get3A_174, %get3A_175] : memref<1x8192xf32, #tpu.memory_space<vmem>>, vector<1x512xf32>
    %dot_general3A_177 = arith.constant dense<0.000000e+00> : vector<1024x512xf32>
    %dot_general3A_178 = tpu.matmul %mul3A_7, %get3A_173, %dot_general3A_177 {dimension_numbers = #tpu.dot_dimension_numbers<[1], [0], [0], [1], [0, 0, 1, 1], [], []>, transpose_lhs_hint = false} : vector<1024x32xf32>, vector<32x512xf32>, vector<1024x512xf32> -> vector<1024x512xf32>
    %add3A_179 = vector.broadcast %broadcast_in_dim3A : vector<1024x1xf32> to vector<1024x512xf32>
    %add3A_180 = vector.broadcast %get3A_176 : vector<1x512xf32> to vector<1024x512xf32>
    %add3A_181 = arith.addf %add3A_179, %add3A_180 : vector<1024x512xf32>
    %sub3A_182 = arith.subf %add3A_181, %dot_general3A_178 : vector<1024x512xf32>
    %reduce_min3A_183 = arith.constant dense<0x7F800000> : vector<1024xf32>
    %reduce_min3A_184 = vector.multi_reduction <minimumf>, %sub3A_182, %reduce_min3A_183 [1] : vector<1024x512xf32> to vector<1024xf32>
    %broadcast_in_dim3A_185 = vector.shape_cast %reduce_min3A_184 : vector<1024xf32> to vector<1024x1xf32>
    %add3A_186 = arith.constant 3.072000e+03 : f32
    %add3A_187 = vector.broadcast %add3A_186 : f32 to vector<1x512xf32>
    %add3A_188 = arith.addf %convert_element_type3A_8, %add3A_187 : vector<1x512xf32>
    %eq3A_189 = vector.broadcast %broadcast_in_dim3A_185 : vector<1024x1xf32> to vector<1024x512xf32>
    %eq3A_190 = arith.cmpf oeq, %sub3A_182, %eq3A_189 : vector<1024x512xf32>
    %jit3A_191 = arith.constant 3.000000e+38 : f32
    %broadcast_in_dim3A_192 = vector.shape_cast %add3A_188 : vector<1x512xf32> to vector<1x512xf32>
    %broadcast_in_dim3A_193 = vector.broadcast %broadcast_in_dim3A_192 : vector<1x512xf32> to vector<1024x512xf32>
    %broadcast_in_dim3A_194 = vector.broadcast %jit3A_191 : f32 to vector<1024x512xf32>
    %select_n3A_195 = arith.select %eq3A_190, %broadcast_in_dim3A_193, %broadcast_in_dim3A_194 : vector<1024x512xi1>, vector<1024x512xf32>
    %reduce_min3A_196 = arith.constant dense<0x7F800000> : vector<1024xf32>
    %reduce_min3A_197 = vector.multi_reduction <minimumf>, %select_n3A_195, %reduce_min3A_196 [1] : vector<1024x512xf32> to vector<1024xf32>
    %broadcast_in_dim3A_198 = vector.shape_cast %reduce_min3A_197 : vector<1024xf32> to vector<1024x1xf32>
    %get3A_199 = arith.constant 0 : index
    %get3A_200 = arith.constant 3584 : index
    %get3A_201 = vector.load %arg2[%get3A_199, %get3A_200] : memref<32x8192xf32, #tpu.memory_space<vmem>>, vector<32x512xf32>
    %get3A_202 = arith.constant 0 : index
    %get3A_203 = arith.constant 3584 : index
    %get3A_204 = vector.load %arg4[%get3A_202, %get3A_203] : memref<1x8192xf32, #tpu.memory_space<vmem>>, vector<1x512xf32>
    %dot_general3A_205 = arith.constant dense<0.000000e+00> : vector<1024x512xf32>
    %dot_general3A_206 = tpu.matmul %mul3A_7, %get3A_201, %dot_general3A_205 {dimension_numbers = #tpu.dot_dimension_numbers<[1], [0], [0], [1], [0, 0, 1, 1], [], []>, transpose_lhs_hint = false} : vector<1024x32xf32>, vector<32x512xf32>, vector<1024x512xf32> -> vector<1024x512xf32>
    %add3A_207 = vector.broadcast %broadcast_in_dim3A : vector<1024x1xf32> to vector<1024x512xf32>
    %add3A_208 = vector.broadcast %get3A_204 : vector<1x512xf32> to vector<1024x512xf32>
    %add3A_209 = arith.addf %add3A_207, %add3A_208 : vector<1024x512xf32>
    %sub3A_210 = arith.subf %add3A_209, %dot_general3A_206 : vector<1024x512xf32>
    %reduce_min3A_211 = arith.constant dense<0x7F800000> : vector<1024xf32>
    %reduce_min3A_212 = vector.multi_reduction <minimumf>, %sub3A_210, %reduce_min3A_211 [1] : vector<1024x512xf32> to vector<1024xf32>
    %broadcast_in_dim3A_213 = vector.shape_cast %reduce_min3A_212 : vector<1024xf32> to vector<1024x1xf32>
    %add3A_214 = arith.constant 3.584000e+03 : f32
    %add3A_215 = vector.broadcast %add3A_214 : f32 to vector<1x512xf32>
    %add3A_216 = arith.addf %convert_element_type3A_8, %add3A_215 : vector<1x512xf32>
    %eq3A_217 = vector.broadcast %broadcast_in_dim3A_213 : vector<1024x1xf32> to vector<1024x512xf32>
    %eq3A_218 = arith.cmpf oeq, %sub3A_210, %eq3A_217 : vector<1024x512xf32>
    %jit3A_219 = arith.constant 3.000000e+38 : f32
    %broadcast_in_dim3A_220 = vector.shape_cast %add3A_216 : vector<1x512xf32> to vector<1x512xf32>
    %broadcast_in_dim3A_221 = vector.broadcast %broadcast_in_dim3A_220 : vector<1x512xf32> to vector<1024x512xf32>
    %broadcast_in_dim3A_222 = vector.broadcast %jit3A_219 : f32 to vector<1024x512xf32>
    %select_n3A_223 = arith.select %eq3A_218, %broadcast_in_dim3A_221, %broadcast_in_dim3A_222 : vector<1024x512xi1>, vector<1024x512xf32>
    %reduce_min3A_224 = arith.constant dense<0x7F800000> : vector<1024xf32>
    %reduce_min3A_225 = vector.multi_reduction <minimumf>, %select_n3A_223, %reduce_min3A_224 [1] : vector<1024x512xf32> to vector<1024xf32>
    %broadcast_in_dim3A_226 = vector.shape_cast %reduce_min3A_225 : vector<1024xf32> to vector<1024x1xf32>
    %get3A_227 = arith.constant 0 : index
    %get3A_228 = arith.constant 4096 : index
    %get3A_229 = vector.load %arg2[%get3A_227, %get3A_228] : memref<32x8192xf32, #tpu.memory_space<vmem>>, vector<32x512xf32>
    %get3A_230 = arith.constant 0 : index
    %get3A_231 = arith.constant 4096 : index
    %get3A_232 = vector.load %arg4[%get3A_230, %get3A_231] : memref<1x8192xf32, #tpu.memory_space<vmem>>, vector<1x512xf32>
    %dot_general3A_233 = arith.constant dense<0.000000e+00> : vector<1024x512xf32>
    %dot_general3A_234 = tpu.matmul %mul3A_7, %get3A_229, %dot_general3A_233 {dimension_numbers = #tpu.dot_dimension_numbers<[1], [0], [0], [1], [0, 0, 1, 1], [], []>, transpose_lhs_hint = false} : vector<1024x32xf32>, vector<32x512xf32>, vector<1024x512xf32> -> vector<1024x512xf32>
    %add3A_235 = vector.broadcast %broadcast_in_dim3A : vector<1024x1xf32> to vector<1024x512xf32>
    %add3A_236 = vector.broadcast %get3A_232 : vector<1x512xf32> to vector<1024x512xf32>
    %add3A_237 = arith.addf %add3A_235, %add3A_236 : vector<1024x512xf32>
    %sub3A_238 = arith.subf %add3A_237, %dot_general3A_234 : vector<1024x512xf32>
    %reduce_min3A_239 = arith.constant dense<0x7F800000> : vector<1024xf32>
    %reduce_min3A_240 = vector.multi_reduction <minimumf>, %sub3A_238, %reduce_min3A_239 [1] : vector<1024x512xf32> to vector<1024xf32>
    %broadcast_in_dim3A_241 = vector.shape_cast %reduce_min3A_240 : vector<1024xf32> to vector<1024x1xf32>
    %add3A_242 = arith.constant 4.096000e+03 : f32
    %add3A_243 = vector.broadcast %add3A_242 : f32 to vector<1x512xf32>
    %add3A_244 = arith.addf %convert_element_type3A_8, %add3A_243 : vector<1x512xf32>
    %eq3A_245 = vector.broadcast %broadcast_in_dim3A_241 : vector<1024x1xf32> to vector<1024x512xf32>
    %eq3A_246 = arith.cmpf oeq, %sub3A_238, %eq3A_245 : vector<1024x512xf32>
    %jit3A_247 = arith.constant 3.000000e+38 : f32
    %broadcast_in_dim3A_248 = vector.shape_cast %add3A_244 : vector<1x512xf32> to vector<1x512xf32>
    %broadcast_in_dim3A_249 = vector.broadcast %broadcast_in_dim3A_248 : vector<1x512xf32> to vector<1024x512xf32>
    %broadcast_in_dim3A_250 = vector.broadcast %jit3A_247 : f32 to vector<1024x512xf32>
    %select_n3A_251 = arith.select %eq3A_246, %broadcast_in_dim3A_249, %broadcast_in_dim3A_250 : vector<1024x512xi1>, vector<1024x512xf32>
    %reduce_min3A_252 = arith.constant dense<0x7F800000> : vector<1024xf32>
    %reduce_min3A_253 = vector.multi_reduction <minimumf>, %select_n3A_251, %reduce_min3A_252 [1] : vector<1024x512xf32> to vector<1024xf32>
    %broadcast_in_dim3A_254 = vector.shape_cast %reduce_min3A_253 : vector<1024xf32> to vector<1024x1xf32>
    %get3A_255 = arith.constant 0 : index
    %get3A_256 = arith.constant 4608 : index
    %get3A_257 = vector.load %arg2[%get3A_255, %get3A_256] : memref<32x8192xf32, #tpu.memory_space<vmem>>, vector<32x512xf32>
    %get3A_258 = arith.constant 0 : index
    %get3A_259 = arith.constant 4608 : index
    %get3A_260 = vector.load %arg4[%get3A_258, %get3A_259] : memref<1x8192xf32, #tpu.memory_space<vmem>>, vector<1x512xf32>
    %dot_general3A_261 = arith.constant dense<0.000000e+00> : vector<1024x512xf32>
    %dot_general3A_262 = tpu.matmul %mul3A_7, %get3A_257, %dot_general3A_261 {dimension_numbers = #tpu.dot_dimension_numbers<[1], [0], [0], [1], [0, 0, 1, 1], [], []>, transpose_lhs_hint = false} : vector<1024x32xf32>, vector<32x512xf32>, vector<1024x512xf32> -> vector<1024x512xf32>
    %add3A_263 = vector.broadcast %broadcast_in_dim3A : vector<1024x1xf32> to vector<1024x512xf32>
    %add3A_264 = vector.broadcast %get3A_260 : vector<1x512xf32> to vector<1024x512xf32>
    %add3A_265 = arith.addf %add3A_263, %add3A_264 : vector<1024x512xf32>
    %sub3A_266 = arith.subf %add3A_265, %dot_general3A_262 : vector<1024x512xf32>
    %reduce_min3A_267 = arith.constant dense<0x7F800000> : vector<1024xf32>
    %reduce_min3A_268 = vector.multi_reduction <minimumf>, %sub3A_266, %reduce_min3A_267 [1] : vector<1024x512xf32> to vector<1024xf32>
    %broadcast_in_dim3A_269 = vector.shape_cast %reduce_min3A_268 : vector<1024xf32> to vector<1024x1xf32>
    %add3A_270 = arith.constant 4.608000e+03 : f32
    %add3A_271 = vector.broadcast %add3A_270 : f32 to vector<1x512xf32>
    %add3A_272 = arith.addf %convert_element_type3A_8, %add3A_271 : vector<1x512xf32>
    %eq3A_273 = vector.broadcast %broadcast_in_dim3A_269 : vector<1024x1xf32> to vector<1024x512xf32>
    %eq3A_274 = arith.cmpf oeq, %sub3A_266, %eq3A_273 : vector<1024x512xf32>
    %jit3A_275 = arith.constant 3.000000e+38 : f32
    %broadcast_in_dim3A_276 = vector.shape_cast %add3A_272 : vector<1x512xf32> to vector<1x512xf32>
    %broadcast_in_dim3A_277 = vector.broadcast %broadcast_in_dim3A_276 : vector<1x512xf32> to vector<1024x512xf32>
    %broadcast_in_dim3A_278 = vector.broadcast %jit3A_275 : f32 to vector<1024x512xf32>
    %select_n3A_279 = arith.select %eq3A_274, %broadcast_in_dim3A_277, %broadcast_in_dim3A_278 : vector<1024x512xi1>, vector<1024x512xf32>
    %reduce_min3A_280 = arith.constant dense<0x7F800000> : vector<1024xf32>
    %reduce_min3A_281 = vector.multi_reduction <minimumf>, %select_n3A_279, %reduce_min3A_280 [1] : vector<1024x512xf32> to vector<1024xf32>
    %broadcast_in_dim3A_282 = vector.shape_cast %reduce_min3A_281 : vector<1024xf32> to vector<1024x1xf32>
    %get3A_283 = arith.constant 0 : index
    %get3A_284 = arith.constant 5120 : index
    %get3A_285 = vector.load %arg2[%get3A_283, %get3A_284] : memref<32x8192xf32, #tpu.memory_space<vmem>>, vector<32x512xf32>
    %get3A_286 = arith.constant 0 : index
    %get3A_287 = arith.constant 5120 : index
    %get3A_288 = vector.load %arg4[%get3A_286, %get3A_287] : memref<1x8192xf32, #tpu.memory_space<vmem>>, vector<1x512xf32>
    %dot_general3A_289 = arith.constant dense<0.000000e+00> : vector<1024x512xf32>
    %dot_general3A_290 = tpu.matmul %mul3A_7, %get3A_285, %dot_general3A_289 {dimension_numbers = #tpu.dot_dimension_numbers<[1], [0], [0], [1], [0, 0, 1, 1], [], []>, transpose_lhs_hint = false} : vector<1024x32xf32>, vector<32x512xf32>, vector<1024x512xf32> -> vector<1024x512xf32>
    %add3A_291 = vector.broadcast %broadcast_in_dim3A : vector<1024x1xf32> to vector<1024x512xf32>
    %add3A_292 = vector.broadcast %get3A_288 : vector<1x512xf32> to vector<1024x512xf32>
    %add3A_293 = arith.addf %add3A_291, %add3A_292 : vector<1024x512xf32>
    %sub3A_294 = arith.subf %add3A_293, %dot_general3A_290 : vector<1024x512xf32>
    %reduce_min3A_295 = arith.constant dense<0x7F800000> : vector<1024xf32>
    %reduce_min3A_296 = vector.multi_reduction <minimumf>, %sub3A_294, %reduce_min3A_295 [1] : vector<1024x512xf32> to vector<1024xf32>
    %broadcast_in_dim3A_297 = vector.shape_cast %reduce_min3A_296 : vector<1024xf32> to vector<1024x1xf32>
    %add3A_298 = arith.constant 5.120000e+03 : f32
    %add3A_299 = vector.broadcast %add3A_298 : f32 to vector<1x512xf32>
    %add3A_300 = arith.addf %convert_element_type3A_8, %add3A_299 : vector<1x512xf32>
    %eq3A_301 = vector.broadcast %broadcast_in_dim3A_297 : vector<1024x1xf32> to vector<1024x512xf32>
    %eq3A_302 = arith.cmpf oeq, %sub3A_294, %eq3A_301 : vector<1024x512xf32>
    %jit3A_303 = arith.constant 3.000000e+38 : f32
    %broadcast_in_dim3A_304 = vector.shape_cast %add3A_300 : vector<1x512xf32> to vector<1x512xf32>
    %broadcast_in_dim3A_305 = vector.broadcast %broadcast_in_dim3A_304 : vector<1x512xf32> to vector<1024x512xf32>
    %broadcast_in_dim3A_306 = vector.broadcast %jit3A_303 : f32 to vector<1024x512xf32>
    %select_n3A_307 = arith.select %eq3A_302, %broadcast_in_dim3A_305, %broadcast_in_dim3A_306 : vector<1024x512xi1>, vector<1024x512xf32>
    %reduce_min3A_308 = arith.constant dense<0x7F800000> : vector<1024xf32>
    %reduce_min3A_309 = vector.multi_reduction <minimumf>, %select_n3A_307, %reduce_min3A_308 [1] : vector<1024x512xf32> to vector<1024xf32>
    %broadcast_in_dim3A_310 = vector.shape_cast %reduce_min3A_309 : vector<1024xf32> to vector<1024x1xf32>
    %get3A_311 = arith.constant 0 : index
    %get3A_312 = arith.constant 5632 : index
    %get3A_313 = vector.load %arg2[%get3A_311, %get3A_312] : memref<32x8192xf32, #tpu.memory_space<vmem>>, vector<32x512xf32>
    %get3A_314 = arith.constant 0 : index
    %get3A_315 = arith.constant 5632 : index
    %get3A_316 = vector.load %arg4[%get3A_314, %get3A_315] : memref<1x8192xf32, #tpu.memory_space<vmem>>, vector<1x512xf32>
    %dot_general3A_317 = arith.constant dense<0.000000e+00> : vector<1024x512xf32>
    %dot_general3A_318 = tpu.matmul %mul3A_7, %get3A_313, %dot_general3A_317 {dimension_numbers = #tpu.dot_dimension_numbers<[1], [0], [0], [1], [0, 0, 1, 1], [], []>, transpose_lhs_hint = false} : vector<1024x32xf32>, vector<32x512xf32>, vector<1024x512xf32> -> vector<1024x512xf32>
    %add3A_319 = vector.broadcast %broadcast_in_dim3A : vector<1024x1xf32> to vector<1024x512xf32>
    %add3A_320 = vector.broadcast %get3A_316 : vector<1x512xf32> to vector<1024x512xf32>
    %add3A_321 = arith.addf %add3A_319, %add3A_320 : vector<1024x512xf32>
    %sub3A_322 = arith.subf %add3A_321, %dot_general3A_318 : vector<1024x512xf32>
    %reduce_min3A_323 = arith.constant dense<0x7F800000> : vector<1024xf32>
    %reduce_min3A_324 = vector.multi_reduction <minimumf>, %sub3A_322, %reduce_min3A_323 [1] : vector<1024x512xf32> to vector<1024xf32>
    %broadcast_in_dim3A_325 = vector.shape_cast %reduce_min3A_324 : vector<1024xf32> to vector<1024x1xf32>
    %add3A_326 = arith.constant 5.632000e+03 : f32
    %add3A_327 = vector.broadcast %add3A_326 : f32 to vector<1x512xf32>
    %add3A_328 = arith.addf %convert_element_type3A_8, %add3A_327 : vector<1x512xf32>
    %eq3A_329 = vector.broadcast %broadcast_in_dim3A_325 : vector<1024x1xf32> to vector<1024x512xf32>
    %eq3A_330 = arith.cmpf oeq, %sub3A_322, %eq3A_329 : vector<1024x512xf32>
    %jit3A_331 = arith.constant 3.000000e+38 : f32
    %broadcast_in_dim3A_332 = vector.shape_cast %add3A_328 : vector<1x512xf32> to vector<1x512xf32>
    %broadcast_in_dim3A_333 = vector.broadcast %broadcast_in_dim3A_332 : vector<1x512xf32> to vector<1024x512xf32>
    %broadcast_in_dim3A_334 = vector.broadcast %jit3A_331 : f32 to vector<1024x512xf32>
    %select_n3A_335 = arith.select %eq3A_330, %broadcast_in_dim3A_333, %broadcast_in_dim3A_334 : vector<1024x512xi1>, vector<1024x512xf32>
    %reduce_min3A_336 = arith.constant dense<0x7F800000> : vector<1024xf32>
    %reduce_min3A_337 = vector.multi_reduction <minimumf>, %select_n3A_335, %reduce_min3A_336 [1] : vector<1024x512xf32> to vector<1024xf32>
    %broadcast_in_dim3A_338 = vector.shape_cast %reduce_min3A_337 : vector<1024xf32> to vector<1024x1xf32>
    %get3A_339 = arith.constant 0 : index
    %get3A_340 = arith.constant 6144 : index
    %get3A_341 = vector.load %arg2[%get3A_339, %get3A_340] : memref<32x8192xf32, #tpu.memory_space<vmem>>, vector<32x512xf32>
    %get3A_342 = arith.constant 0 : index
    %get3A_343 = arith.constant 6144 : index
    %get3A_344 = vector.load %arg4[%get3A_342, %get3A_343] : memref<1x8192xf32, #tpu.memory_space<vmem>>, vector<1x512xf32>
    %dot_general3A_345 = arith.constant dense<0.000000e+00> : vector<1024x512xf32>
    %dot_general3A_346 = tpu.matmul %mul3A_7, %get3A_341, %dot_general3A_345 {dimension_numbers = #tpu.dot_dimension_numbers<[1], [0], [0], [1], [0, 0, 1, 1], [], []>, transpose_lhs_hint = false} : vector<1024x32xf32>, vector<32x512xf32>, vector<1024x512xf32> -> vector<1024x512xf32>
    %add3A_347 = vector.broadcast %broadcast_in_dim3A : vector<1024x1xf32> to vector<1024x512xf32>
    %add3A_348 = vector.broadcast %get3A_344 : vector<1x512xf32> to vector<1024x512xf32>
    %add3A_349 = arith.addf %add3A_347, %add3A_348 : vector<1024x512xf32>
    %sub3A_350 = arith.subf %add3A_349, %dot_general3A_346 : vector<1024x512xf32>
    %reduce_min3A_351 = arith.constant dense<0x7F800000> : vector<1024xf32>
    %reduce_min3A_352 = vector.multi_reduction <minimumf>, %sub3A_350, %reduce_min3A_351 [1] : vector<1024x512xf32> to vector<1024xf32>
    %broadcast_in_dim3A_353 = vector.shape_cast %reduce_min3A_352 : vector<1024xf32> to vector<1024x1xf32>
    %add3A_354 = arith.constant 6.144000e+03 : f32
    %add3A_355 = vector.broadcast %add3A_354 : f32 to vector<1x512xf32>
    %add3A_356 = arith.addf %convert_element_type3A_8, %add3A_355 : vector<1x512xf32>
    %eq3A_357 = vector.broadcast %broadcast_in_dim3A_353 : vector<1024x1xf32> to vector<1024x512xf32>
    %eq3A_358 = arith.cmpf oeq, %sub3A_350, %eq3A_357 : vector<1024x512xf32>
    %jit3A_359 = arith.constant 3.000000e+38 : f32
    %broadcast_in_dim3A_360 = vector.shape_cast %add3A_356 : vector<1x512xf32> to vector<1x512xf32>
    %broadcast_in_dim3A_361 = vector.broadcast %broadcast_in_dim3A_360 : vector<1x512xf32> to vector<1024x512xf32>
    %broadcast_in_dim3A_362 = vector.broadcast %jit3A_359 : f32 to vector<1024x512xf32>
    %select_n3A_363 = arith.select %eq3A_358, %broadcast_in_dim3A_361, %broadcast_in_dim3A_362 : vector<1024x512xi1>, vector<1024x512xf32>
    %reduce_min3A_364 = arith.constant dense<0x7F800000> : vector<1024xf32>
    %reduce_min3A_365 = vector.multi_reduction <minimumf>, %select_n3A_363, %reduce_min3A_364 [1] : vector<1024x512xf32> to vector<1024xf32>
    %broadcast_in_dim3A_366 = vector.shape_cast %reduce_min3A_365 : vector<1024xf32> to vector<1024x1xf32>
    %get3A_367 = arith.constant 0 : index
    %get3A_368 = arith.constant 6656 : index
    %get3A_369 = vector.load %arg2[%get3A_367, %get3A_368] : memref<32x8192xf32, #tpu.memory_space<vmem>>, vector<32x512xf32>
    %get3A_370 = arith.constant 0 : index
    %get3A_371 = arith.constant 6656 : index
    %get3A_372 = vector.load %arg4[%get3A_370, %get3A_371] : memref<1x8192xf32, #tpu.memory_space<vmem>>, vector<1x512xf32>
    %dot_general3A_373 = arith.constant dense<0.000000e+00> : vector<1024x512xf32>
    %dot_general3A_374 = tpu.matmul %mul3A_7, %get3A_369, %dot_general3A_373 {dimension_numbers = #tpu.dot_dimension_numbers<[1], [0], [0], [1], [0, 0, 1, 1], [], []>, transpose_lhs_hint = false} : vector<1024x32xf32>, vector<32x512xf32>, vector<1024x512xf32> -> vector<1024x512xf32>
    %add3A_375 = vector.broadcast %broadcast_in_dim3A : vector<1024x1xf32> to vector<1024x512xf32>
    %add3A_376 = vector.broadcast %get3A_372 : vector<1x512xf32> to vector<1024x512xf32>
    %add3A_377 = arith.addf %add3A_375, %add3A_376 : vector<1024x512xf32>
    %sub3A_378 = arith.subf %add3A_377, %dot_general3A_374 : vector<1024x512xf32>
    %reduce_min3A_379 = arith.constant dense<0x7F800000> : vector<1024xf32>
    %reduce_min3A_380 = vector.multi_reduction <minimumf>, %sub3A_378, %reduce_min3A_379 [1] : vector<1024x512xf32> to vector<1024xf32>
    %broadcast_in_dim3A_381 = vector.shape_cast %reduce_min3A_380 : vector<1024xf32> to vector<1024x1xf32>
    %add3A_382 = arith.constant 6.656000e+03 : f32
    %add3A_383 = vector.broadcast %add3A_382 : f32 to vector<1x512xf32>
    %add3A_384 = arith.addf %convert_element_type3A_8, %add3A_383 : vector<1x512xf32>
    %eq3A_385 = vector.broadcast %broadcast_in_dim3A_381 : vector<1024x1xf32> to vector<1024x512xf32>
    %eq3A_386 = arith.cmpf oeq, %sub3A_378, %eq3A_385 : vector<1024x512xf32>
    %jit3A_387 = arith.constant 3.000000e+38 : f32
    %broadcast_in_dim3A_388 = vector.shape_cast %add3A_384 : vector<1x512xf32> to vector<1x512xf32>
    %broadcast_in_dim3A_389 = vector.broadcast %broadcast_in_dim3A_388 : vector<1x512xf32> to vector<1024x512xf32>
    %broadcast_in_dim3A_390 = vector.broadcast %jit3A_387 : f32 to vector<1024x512xf32>
    %select_n3A_391 = arith.select %eq3A_386, %broadcast_in_dim3A_389, %broadcast_in_dim3A_390 : vector<1024x512xi1>, vector<1024x512xf32>
    %reduce_min3A_392 = arith.constant dense<0x7F800000> : vector<1024xf32>
    %reduce_min3A_393 = vector.multi_reduction <minimumf>, %select_n3A_391, %reduce_min3A_392 [1] : vector<1024x512xf32> to vector<1024xf32>
    %broadcast_in_dim3A_394 = vector.shape_cast %reduce_min3A_393 : vector<1024xf32> to vector<1024x1xf32>
    %get3A_395 = arith.constant 0 : index
    %get3A_396 = arith.constant 7168 : index
    %get3A_397 = vector.load %arg2[%get3A_395, %get3A_396] : memref<32x8192xf32, #tpu.memory_space<vmem>>, vector<32x512xf32>
    %get3A_398 = arith.constant 0 : index
    %get3A_399 = arith.constant 7168 : index
    %get3A_400 = vector.load %arg4[%get3A_398, %get3A_399] : memref<1x8192xf32, #tpu.memory_space<vmem>>, vector<1x512xf32>
    %dot_general3A_401 = arith.constant dense<0.000000e+00> : vector<1024x512xf32>
    %dot_general3A_402 = tpu.matmul %mul3A_7, %get3A_397, %dot_general3A_401 {dimension_numbers = #tpu.dot_dimension_numbers<[1], [0], [0], [1], [0, 0, 1, 1], [], []>, transpose_lhs_hint = false} : vector<1024x32xf32>, vector<32x512xf32>, vector<1024x512xf32> -> vector<1024x512xf32>
    %add3A_403 = vector.broadcast %broadcast_in_dim3A : vector<1024x1xf32> to vector<1024x512xf32>
    %add3A_404 = vector.broadcast %get3A_400 : vector<1x512xf32> to vector<1024x512xf32>
    %add3A_405 = arith.addf %add3A_403, %add3A_404 : vector<1024x512xf32>
    %sub3A_406 = arith.subf %add3A_405, %dot_general3A_402 : vector<1024x512xf32>
    %reduce_min3A_407 = arith.constant dense<0x7F800000> : vector<1024xf32>
    %reduce_min3A_408 = vector.multi_reduction <minimumf>, %sub3A_406, %reduce_min3A_407 [1] : vector<1024x512xf32> to vector<1024xf32>
    %broadcast_in_dim3A_409 = vector.shape_cast %reduce_min3A_408 : vector<1024xf32> to vector<1024x1xf32>
    %add3A_410 = arith.constant 7.168000e+03 : f32
    %add3A_411 = vector.broadcast %add3A_410 : f32 to vector<1x512xf32>
    %add3A_412 = arith.addf %convert_element_type3A_8, %add3A_411 : vector<1x512xf32>
    %eq3A_413 = vector.broadcast %broadcast_in_dim3A_409 : vector<1024x1xf32> to vector<1024x512xf32>
    %eq3A_414 = arith.cmpf oeq, %sub3A_406, %eq3A_413 : vector<1024x512xf32>
    %jit3A_415 = arith.constant 3.000000e+38 : f32
    %broadcast_in_dim3A_416 = vector.shape_cast %add3A_412 : vector<1x512xf32> to vector<1x512xf32>
    %broadcast_in_dim3A_417 = vector.broadcast %broadcast_in_dim3A_416 : vector<1x512xf32> to vector<1024x512xf32>
    %broadcast_in_dim3A_418 = vector.broadcast %jit3A_415 : f32 to vector<1024x512xf32>
    %select_n3A_419 = arith.select %eq3A_414, %broadcast_in_dim3A_417, %broadcast_in_dim3A_418 : vector<1024x512xi1>, vector<1024x512xf32>
    %reduce_min3A_420 = arith.constant dense<0x7F800000> : vector<1024xf32>
    %reduce_min3A_421 = vector.multi_reduction <minimumf>, %select_n3A_419, %reduce_min3A_420 [1] : vector<1024x512xf32> to vector<1024xf32>
    %broadcast_in_dim3A_422 = vector.shape_cast %reduce_min3A_421 : vector<1024xf32> to vector<1024x1xf32>
    %get3A_423 = arith.constant 0 : index
    %get3A_424 = arith.constant 7680 : index
    %get3A_425 = vector.load %arg2[%get3A_423, %get3A_424] : memref<32x8192xf32, #tpu.memory_space<vmem>>, vector<32x512xf32>
    %get3A_426 = arith.constant 0 : index
    %get3A_427 = arith.constant 7680 : index
    %get3A_428 = vector.load %arg4[%get3A_426, %get3A_427] : memref<1x8192xf32, #tpu.memory_space<vmem>>, vector<1x512xf32>
    %dot_general3A_429 = arith.constant dense<0.000000e+00> : vector<1024x512xf32>
    %dot_general3A_430 = tpu.matmul %mul3A_7, %get3A_425, %dot_general3A_429 {dimension_numbers = #tpu.dot_dimension_numbers<[1], [0], [0], [1], [0, 0, 1, 1], [], []>, transpose_lhs_hint = false} : vector<1024x32xf32>, vector<32x512xf32>, vector<1024x512xf32> -> vector<1024x512xf32>
    %add3A_431 = vector.broadcast %broadcast_in_dim3A : vector<1024x1xf32> to vector<1024x512xf32>
    %add3A_432 = vector.broadcast %get3A_428 : vector<1x512xf32> to vector<1024x512xf32>
    %add3A_433 = arith.addf %add3A_431, %add3A_432 : vector<1024x512xf32>
    %sub3A_434 = arith.subf %add3A_433, %dot_general3A_430 : vector<1024x512xf32>
    %reduce_min3A_435 = arith.constant dense<0x7F800000> : vector<1024xf32>
    %reduce_min3A_436 = vector.multi_reduction <minimumf>, %sub3A_434, %reduce_min3A_435 [1] : vector<1024x512xf32> to vector<1024xf32>
    %broadcast_in_dim3A_437 = vector.shape_cast %reduce_min3A_436 : vector<1024xf32> to vector<1024x1xf32>
    %add3A_438 = arith.constant 7.680000e+03 : f32
    %add3A_439 = vector.broadcast %add3A_438 : f32 to vector<1x512xf32>
    %add3A_440 = arith.addf %convert_element_type3A_8, %add3A_439 : vector<1x512xf32>
    %eq3A_441 = vector.broadcast %broadcast_in_dim3A_437 : vector<1024x1xf32> to vector<1024x512xf32>
    %eq3A_442 = arith.cmpf oeq, %sub3A_434, %eq3A_441 : vector<1024x512xf32>
    %jit3A_443 = arith.constant 3.000000e+38 : f32
    %broadcast_in_dim3A_444 = vector.shape_cast %add3A_440 : vector<1x512xf32> to vector<1x512xf32>
    %broadcast_in_dim3A_445 = vector.broadcast %broadcast_in_dim3A_444 : vector<1x512xf32> to vector<1024x512xf32>
    %broadcast_in_dim3A_446 = vector.broadcast %jit3A_443 : f32 to vector<1024x512xf32>
    %select_n3A_447 = arith.select %eq3A_442, %broadcast_in_dim3A_445, %broadcast_in_dim3A_446 : vector<1024x512xi1>, vector<1024x512xf32>
    %reduce_min3A_448 = arith.constant dense<0x7F800000> : vector<1024xf32>
    %reduce_min3A_449 = vector.multi_reduction <minimumf>, %select_n3A_447, %reduce_min3A_448 [1] : vector<1024x512xf32> to vector<1024xf32>
    %broadcast_in_dim3A_450 = vector.shape_cast %reduce_min3A_449 : vector<1024xf32> to vector<1024x1xf32>
    %concatenate3A = tpu.concatenate %broadcast_in_dim3A_19, %broadcast_in_dim3A_45, %broadcast_in_dim3A_73, %broadcast_in_dim3A_101, %broadcast_in_dim3A_129, %broadcast_in_dim3A_157, %broadcast_in_dim3A_185, %broadcast_in_dim3A_213, %broadcast_in_dim3A_241, %broadcast_in_dim3A_269, %broadcast_in_dim3A_297, %broadcast_in_dim3A_325, %broadcast_in_dim3A_353, %broadcast_in_dim3A_381, %broadcast_in_dim3A_409, %broadcast_in_dim3A_437 in 1 : vector<1024x1xf32>, vector<1024x1xf32>, vector<1024x1xf32>, vector<1024x1xf32>, vector<1024x1xf32>, vector<1024x1xf32>, vector<1024x1xf32>, vector<1024x1xf32>, vector<1024x1xf32>, vector<1024x1xf32>, vector<1024x1xf32>, vector<1024x1xf32>, vector<1024x1xf32>, vector<1024x1xf32>, vector<1024x1xf32>, vector<1024x1xf32> -> vector<1024x16xf32>
    %concatenate3A_451 = tpu.concatenate %broadcast_in_dim3A_30, %broadcast_in_dim3A_58, %broadcast_in_dim3A_86, %broadcast_in_dim3A_114, %broadcast_in_dim3A_142, %broadcast_in_dim3A_170, %broadcast_in_dim3A_198, %broadcast_in_dim3A_226, %broadcast_in_dim3A_254, %broadcast_in_dim3A_282, %broadcast_in_dim3A_310, %broadcast_in_dim3A_338, %broadcast_in_dim3A_366, %broadcast_in_dim3A_394, %broadcast_in_dim3A_422, %broadcast_in_dim3A_450 in 1 : vector<1024x1xf32>, vector<1024x1xf32>, vector<1024x1xf32>, vector<1024x1xf32>, vector<1024x1xf32>, vector<1024x1xf32>, vector<1024x1xf32>, vector<1024x1xf32>, vector<1024x1xf32>, vector<1024x1xf32>, vector<1024x1xf32>, vector<1024x1xf32>, vector<1024x1xf32>, vector<1024x1xf32>, vector<1024x1xf32>, vector<1024x1xf32> -> vector<1024x16xf32>
    %reduce_min3A_452 = arith.constant dense<0x7F800000> : vector<1024xf32>
    %reduce_min3A_453 = vector.multi_reduction <minimumf>, %concatenate3A, %reduce_min3A_452 [1] : vector<1024x16xf32> to vector<1024xf32>
    %broadcast_in_dim3A_454 = vector.shape_cast %reduce_min3A_453 : vector<1024xf32> to vector<1024x1xf32>
    %eq3A_455 = vector.broadcast %broadcast_in_dim3A_454 : vector<1024x1xf32> to vector<1024x16xf32>
    %eq3A_456 = arith.cmpf oeq, %concatenate3A, %eq3A_455 : vector<1024x16xf32>
    %jit3A_457 = arith.constant 3.000000e+38 : f32
    %broadcast_in_dim3A_458 = vector.broadcast %jit3A_457 : f32 to vector<1024x16xf32>
    %select_n3A_459 = arith.select %eq3A_456, %concatenate3A_451, %broadcast_in_dim3A_458 : vector<1024x16xi1>, vector<1024x16xf32>
    %reduce_min3A_460 = arith.constant dense<0x7F800000> : vector<1024xf32>
    %reduce_min3A_461 = vector.multi_reduction <minimumf>, %select_n3A_459, %reduce_min3A_460 [1] : vector<1024x16xf32> to vector<1024xf32>
    %broadcast_in_dim3A_462 = vector.shape_cast %reduce_min3A_461 : vector<1024xf32> to vector<1024x1xf32>
    %convert_element_type3A_463 = arith.fptosi %broadcast_in_dim3A_462 : vector<1024x1xf32> to vector<1024x1xi32>
    %swap3A = arith.constant 0 : index
    %swap3A_464 = arith.constant 0 : index
    %swap3A_465 = vector.load %arg3[%swap3A, %swap3A_464] : memref<1024x1xi32, #tpu.memory_space<vmem>>, vector<1024x1xi32>
    tpu.vector_store %arg3[%swap3A, %swap3A_464], %convert_element_type3A_463 {strides = array<i32>} : memref<1024x1xi32, #tpu.memory_space<vmem>>, vector<1024x1xi32>,
    return
  }
  func.func @transform_0(%arg0: i32) -> (i32, i32) {
    %c0_i32 = arith.constant 0 : i32
    %c0_i32_0 = arith.constant 0 : i32
    return %arg0, %c0_i32 : i32, i32
  }
  func.func @transform_1(%arg0: i32) -> (i32, i32) {
    %c0_i32 = arith.constant 0 : i32
    %c0_i32_0 = arith.constant 0 : i32
    %c0_i32_1 = arith.constant 0 : i32
    return %c0_i32, %c0_i32_0 : i32, i32
  }
  func.func @transform_2(%arg0: i32) -> (i32, i32) {
    %c0_i32 = arith.constant 0 : i32
    %c0_i32_0 = arith.constant 0 : i32
    return %arg0, %c0_i32 : i32, i32
  }
}

</mosaic_0001>

<sc_bundles>
// kernel: kernel.4.cloned.1.call-start
scs
__scs_entry_jumppad:
0x0: {  	(pc) =	sbr.rel $0x88, $3  }
0x1: {  	(tag) =	ssettag $0x0;
	lr =	simm.s32 $0x1  }
0x2: {  	[smem:$0x3F9F] =	sst lr;
	_ =	strace $0xD0000000  }
0x3: {  	_ = 	snop  }
0x4: {  	_ = 	snop  }
0x5: {  	_ = 	snop  }
0x6: {  	_ = 	snop  }
0x7: {  	_ = 	snop  }
__scs_overlays_trampoline_lowered:
0x8: {  	[smem:$0x3FAE] =	sst s0  }
0x9: {  	[smem:$0x3FAF] =	sst s1  }
0xa: {  	[smem:$0x3FB0] =	sst s2  }
0xb: {  	[smem:$0x3FB1] =	sst s3  }
0xc: {  	[smem:$0x3FB2] =	sst s4  }
0xd: {  	[smem:$0x3FB3] =	sst s5  }
0xe: {  	[smem:$0x3FB4] =	sst s6  }
0xf: {  	[smem:$0x3FB5] =	sst s7  }
0x10: {  	[smem:$0x3FB6] =	sst s8  }
0x11: {  	[smem:$0x3FB7] =	sst s9;
	s0 =	simm.s32 @!p0 $0x0  }
0x12: {  	s1 =	sld [smem:$0x3F9D];
	s0 =	simm.s32 @p0 $0x1  }
0x13: {  	[smem:$0x3FB8] =	sst s0;
	s0 =	simm.s32 @!p1 $0x0  }
0x14: {  	s2 =	sld [smem:$0x3F9C];
	s0 =	simm.s32 @p1 $0x1  }
0x15: {  	[smem:$0x3FB9] =	sst s0;
	s0 =	simm.s32 @!p2 $0x0  }
0x16: {  	s3 =	sld [smem:$0x3FDB];
	s0 =	simm.s32 @p2 $0x1  }
0x17: {  	s4 =	simm.s32 $0x1BF5;
	[smem:$0x3FBB] =	sst s0  }
0x18: {  	s0 =	sld [smem:$0x3F9E];
	_ =	swait.ge [sflag:s4], $0x0  }
0x19: {  	s7 =	sld [smem:$0x3F9F]  }
0x1a: {  	s8 =	sadd.s32 $0xFFFFE003, lr  }
0x1b: {  	s9 =	sadd.s32 $0xFFFFFEF7, lr;
	s5 =	simm.s32 $0xFFFFFFFF;
	p2 =	slt.u32 s8, $0xFFFFF086  }
0x1c: {  	p1 =	slt.u32 s9, $0xF7A;
	s5 =	simm.s32 @!p2 $0x0  }
0x1d: {  	s5 =	simm.s32 @p1 $0x1;
	p0 =	seq.s32 s7, s2  }
0x1e: {  	s7 =	smul.u32 @!p0 $0xF7A, s2;
	p2 =	seq.s32 @!p0 s5, $0x0  }
0x1f: {  	s9 =	smul.u32 $0xF7A, s1;
	s8 =	simm.s32 @!p0 $0x1BF5;
	p2 =	por !p2, p0  }
0x20: {  	[sflag:s8] =	ssyncset.s32 @!p0 $0xFFFFF086;
	s6 =	sadd.s32 @!p0 s3, s7;
	s7 =	simm.s32 @!p0 $0x108  }
0x21: {  	s3 =	sadd.s32 s3, s9;
	s6 =	sadd.s32 @!p0 $0x88, s6;
	s7 =	simm.s32 @p2 $0x1082  }
0x22: {  	[simem:s7], [sflag:s8] =	dma.local @!p0 [hbm:s6], $0xF7A  }
0x23: {  	s9 =	sor.u32 $0xD0000000, s2;
	s6 =	simm.s32 $0x108;
	_ =	swait.ge @!p0 [sflag:s8], $0x0  }
0x24: {  	s3 =	sadd.s32 $0x88, s3;
	s6 =	simm.s32 @!p1 $0x1082;
	[sflag:s4] =	ssyncset.s32 $0xFFFFF086  }
0x25: {  	[simem:s6], [sflag:s4] =	dma.local [hbm:s3], $0xF7A  }
0x26: {  	[smem:$0x3F9F] =	sst s1;
	(tag) =	ssettag s2;
	_ =	strace s9  }
0x27: {  	s1 =	sld [smem:$0x3FAF]  }
0x28: {  	s2 =	sld [smem:$0x3FB0]  }
0x29: {  	s4 =	sld [smem:$0x3FB2]  }
0x2a: {  	p0 =	seq.s32 s5, $0x0;
	s5 =	sld [smem:$0x3FB3]  }
0x2b: {  	s6 =	sld [smem:$0x3FB4]  }
0x2c: {  	s7 =	sld [smem:$0x3FB5]  }
0x2d: {  	s3 =	simm.s32 $0x108;
	s8 =	sld [smem:$0x3FB6]  }
0x2e: {  	s3 =	simm.s32 @!p0 $0x1082;
	s9 =	sld [smem:$0x3FB7]  }
0x2f: {  	lr =	sadd.s32 s0, s3;
	s0 =	sld [smem:$0x3FAE]  }
0x30: {  	s3 =	sld [smem:$0x3FB1]  }
0x31: {  	[smem:$0x3FBA] =	sst s10  }
0x32: {  	s10 =	sld [smem:$0x3FB8];
	_ =	sdelay $0x3  }
0x33: {  	p0 =	seq.s32 s10, $0x1;
	s10 =	sld [smem:$0x3FBA];
	_ =	sdelay $0x3  }
0x34: {  	[smem:$0x3FBA] =	sst s10  }
0x35: {  	s10 =	sld [smem:$0x3FB9];
	_ =	sdelay $0x3  }
0x36: {  	p1 =	seq.s32 s10, $0x1;
	s10 =	sld [smem:$0x3FBA];
	_ =	sdelay $0x3  }
0x37: {  	[smem:$0x3FBA] =	sst s10  }
0x38: {  	s10 =	sld [smem:$0x3FBB]  }
0x39: {  	_ = 	snop;
	(pc) =	sbr.ind lr, $3  }
0x3a: {  	_ = 	snop  }
0x3b: {  	_ = 	snop  }
0x3c: {  	p2 =	seq.s32 s10, $0x1;
	s10 =	sld [smem:$0x3FBA]  }
0x3d: {  	_ =	shalt  }
0x3e: {  	_ =	shalt  }
0x3f: {  	_ =	shalt  }
0x40: {  	_ =	shalt  }
0x41: {  	_ =	shalt  }
0x42: {  	_ =	shalt  }
0x43: {  	_ =	shalt  }
0x44: {  	_ =	shalt  }
0x45: {  	_ =	shalt  }
0x46: {  	_ =	shalt  }
0x47: {  	_ =	shalt  }
0x48: {  	_ =	shalt  }
0x49: {  	_ =	shalt  }
0x4a: {  	_ =	shalt  }
0x4b: {  	_ =	shalt  }
0x4c: {  	_ =	shalt  }
0x4d: {  	_ =	shalt  }
0x4e: {  	_ =	shalt  }
0x4f: {  	_ =	shalt  }
0x50: {  	_ =	shalt  }
0x51: {  	_ =	shalt  }
0x52: {  	_ =	shalt  }
0x53: {  	_ =	shalt  }
0x54: {  	_ =	shalt  }
0x55: {  	_ =	shalt  }
0x56: {  	_ =	shalt  }
0x57: {  	_ =	shalt  }
0x58: {  	_ =	shalt  }
0x59: {  	_ =	shalt  }
0x5a: {  	_ =	shalt  }
0x5b: {  	_ =	shalt  }
0x5c: {  	_ =	shalt  }
0x5d: {  	_ =	shalt  }
0x5e: {  	_ =	shalt  }
0x5f: {  	_ =	shalt  }
0x60: {  	_ =	shalt  }
0x61: {  	_ =	shalt  }
0x62: {  	_ =	shalt  }
0x63: {  	_ =	shalt  }
0x64: {  	_ =	shalt  }
0x65: {  	_ =	shalt  }
0x66: {  	_ =	shalt  }
0x67: {  	_ =	shalt  }
0x68: {  	_ =	shalt  }
0x69: {  	_ =	shalt  }
0x6a: {  	_ =	shalt  }
0x6b: {  	_ =	shalt  }
0x6c: {  	_ =	shalt  }
0x6d: {  	_ =	shalt  }
0x6e: {  	_ =	shalt  }
0x6f: {  	_ =	shalt  }
0x70: {  	_ =	shalt  }
0x71: {  	_ =	shalt  }
0x72: {  	_ =	shalt  }
0x73: {  	_ =	shalt  }
0x74: {  	_ =	shalt  }
0x75: {  	_ =	shalt  }
0x76: {  	_ =	shalt  }
0x77: {  	_ =	shalt  }
0x78: {  	_ =	shalt  }
0x79: {  	_ =	shalt  }
0x7a: {  	_ =	shalt  }
0x7b: {  	_ =	shalt  }
0x7c: {  	_ =	shalt  }
0x7d: {  	_ =	shalt  }
0x7e: {  	_ =	shalt  }
0x7f: {  	_ =	shalt  }
0x80: {  	_ =	shalt  }
0x81: {  	_ =	shalt  }
0x82: {  	_ =	shalt  }
0x83: {  	_ =	shalt  }
0x84: {  	_ =	shalt  }
0x85: {  	_ =	shalt  }
0x86: {  	_ =	shalt  }
0x87: {  	_ =	shalt  }
.Lfunc_end0:
.L_simem_size_0:
called_computation_lowered:
.L_overlay_start_0:
0x88: {  	s2 =	sld [smem:$0x3FD9]  }
0x89: {  	s3 =	sld [smem:$0x3FFE];
	_ =	sdelay $0x1  }
0x8a: {  	s1 =	srdreg.scid  }
0x8b: {  	s0 =	sand.u32 $0x1, s1  }
0x8c: {  	s17 =	sshll.u32 s0, $0xA;
	s2 =	sadd.s32 s3, s2  }
0x8d: {  	s2 =	sadd.s32 s2, s17  }
0x8e: {  	[smem:$0x3FC6] =	sst s2  }
0x8f: {  	_ = 	snop  }
0x90: {  	s2 =	sld [smem:$0x3FD0];
	(tm) =	ssettm $0x1  }
0x91: {  	s18 =	sld [smem:$0x3FFB];
	_ =	sdelay $0x3  }
0x92: {  	_ =	strace s18  }
0x93: {  	s3 =	sld [smem:$0x3FFC];
	_ =	sdelay $0x3  }
0x94: {  	_ =	strace s3  }
0x95: {  	s3 =	sld [smem:$0x3FFD];
	_ =	sdelay $0x3  }
0x96: {  	_ =	strace s3  }
0x97: {  	_ =	strace $0x8FFFFFFF  }
0x98: {  	s19 =	sld [smem:$0x3FDB];
	_ =	sdelay $0x1  }
0x99: {  	s4 =	simm.s32 $_scs_section_size  }
0x9a: {  	s5 =	simm.s32 $_size__tile_overlayer_lowered;
	s6 =	simm.s32 $_tile_overlayer_lowered  }
0x9b: {  	s22 =	simm.s32 $0x1BFF;
	s21 =	sshll.u32 s6, $0x1;
	s3 =	sadd.s32 s4, s19  }
0x9c: {  	s7 =	simm.s32 $0x0;
	s20 =	sshll.u32 s5, $0x1;
	s5 =	sadd.s32 s21, s3  }
0x9d: {  	[timem:s7], [sflag:s22] =	dma.local [hbm:s5], s20  }
0x9e: {  	_ =	swait.ge [sflag:s22], s20  }
0x9f: {  	s4 =	ssub.s32 $0x0, s20;
	[sflag:s22] =	ssyncset.done $0x0  }
0xa0: {  	[sflag:s22] =	ssyncadd.s32 s4;
	_ =	sdelay $0x1  }
0xa1: {  	s23 =	simm.s32 $0x1B8B  }
0xa2: {  	_ =	swait.ge [sflag:s23], $0x1  }
0xa3: {  	[sflag:s23] =	ssyncset.done $0x0  }
0xa4: {  	s25 =	simm.s32 $0x1B8E;
	s24 =	sld [smem:$0x3FFE];
	[sflag:s23] =	ssyncadd.s32 $0xFFFFFFFF  }
0xa5: {  	s26 =	simm.s32 $execute0_lowered;
	[smem:$0x3FD2] =	sst s25  }
0xa6: {  	s5 =	sshll.u32 s26, $0x1;
	_ =	strace $0x80000046;
	[dreg:$0x1] =	wrdreg $0xFFFFFFFF  }
0xa7: {  	s28 =	simm.s32 $_size_execute0_lowered;
	s3 =	sadd.s32 s3, s5;
	[dreg:$0x0] =	wrdreg $0x0  }
0xa8: {  	s5 =	sshll.u32 s28, $0x1;
	[dreg:$0x2] =	wrdreg s3  }
0xa9: {  	[dreg:$0x3] =	wrdreg s5  }
0xaa: {  	[dreg:$0x4] =	wrdreg $0xC0  }
0xab: {  	_ =	task [dreg:s7], $0x5FFFF  }
0xac: {  	[dreg:$0x1] =	wrdreg $0xFFFFFFFF  }
0xad: {  	[dreg:$0x0] =	wrdreg $0x60  }
0xae: {  	[dreg:$0x2] =	wrdreg s2  }
0xaf: {  	[dreg:$0x3] =	wrdreg s24  }
0xb0: {  	[dreg:$0x4] =	wrdreg $0x9  }
0xb1: {  	_ =	task.clear_ibuf [dreg:s7], $0x5FFFF;
	_ =	strace $0x90000046  }
0xb2: {  	s29 =	simm.s32 $0x9;
	_ =	strace $0x80000048  }
0xb3: {  	_ =	swait.ge [sflag:s29], $0x1  }
0xb4: {  	[sflag:s29] =	ssyncadd.s32 $0xFFFFFFFF  }
0xb5: {  	_ =	strace $0x90000048  }
0xb6: {  	_ =	sfence  }
0xb7: {  	s30 =	sld [smem:$0x0];
	_ =	sdelay $0x2  }
0xb8: {  	s31 =	sshll.u32 s1, $0xD;
	s1 =	sshrl.u32 s1, $0x2  }
0xb9: {  	s3 =	sand.u32 $0x4000, s31;
	s1 =	sadd.s32 s1, s30  }
0xba: {  	s0 =	sor.u32 s3, s0;
	s1 =	sshll.u32 s1, $0x11  }
0xbb: {  	s0 =	sor.u32 s1, s0  }
0xbc: {  	s0 =	sadd.s32 $0x8F2B, s0  }
0xbd: {  	[sflag:s0] =	ssyncadd.remote.s32 $0x1  }
0xbe: {  	_ =	sfence.sel $0xFFFF  }
0xbf: {  	[dreg:$0x0] =	wrdreg $0xFFFFFFFF;
	(pc) =	sbr.abs _section_cstart, $3  }
0xc0: {  	[dreg:$0x1] =	wrdreg $0xFFFFFFFF  }
0xc1: {  	_ =	task.clear_ibuf [dreg:s7], $0x2FFFF;
	_ =	strace $0x9FFFFFFF  }
0xc2: {  	(tm) =	ssettm $0x7FFFFFFF  }
0xc3: {  	_ =	shalt  }
tec
execute0_lowered:
.L_overlay_start_1:
0x0: {  	(tag) =	ssettag $0x1  }
0x1: {  	s1 =	srdreg.scid  }
0x2: {  	s0 =	stileid.u32;
	s12 =	sand.u32 $0x1, s1  }
0x3: {  	s2 =	rddreg [dreg:$0x0];
	s30 =	sshll.u32 s0, $0xA;
	s3 =	sshll.u32 s12, $0x9  }
0x4: {  	s14 =	rddreg [dreg:$0x1];
	s15 =	sor.u32 s3, s30  }
0x5: {  	s1 =	rddreg [dreg:$0x2];
	s3 =	simm.s32 $0x0;
	s4 =	sshrl.u32 s15, $0x3  }
0x6: {  	[smem:$0x7FF] =	sst s3;
	s4 =	sadd.s32 s4, s14  }
0x7: {  	_ =	strace $0x80000047;
	s5 =	sadd.s32 $0x400, s4;
	s4 =	simm.s32 $0x2  }
0x8: {  	[tilespmem:s3], [sflag:$0x2] =	stream.linear.gather [hbm4b:s5+s3], $0x200, $0x38;
	[tilespmem:$0x4200] =	vst v63  }
0x9: {  	_ =	swait.ge [sflag:s4], $0x200  }
0xa: {  	s6 =	simm.s32 $0x80;
	[sflag:s4] =	ssyncset.done $0x0  }
0xb: {  	s7 =	simm.s32 $0x200;
	s8 =	simm.s32 $0x1;
	[sflag:s4] =	ssyncadd.s32 $0xFFFFFE00  }
0xc: {  	[tilespmem:s7], [sflag:$0x1] =	stream.indirect.gather [hbm4b:s2+s6], $0x20, s3, s6, $0xb8;
	[tilespmem:$0x4200] =	vst v63  }
0xd: {  	_ =	swait.ge [sflag:s8], $0x1000  }
0xe: {  	[sflag:s8] =	ssyncset.done $0x0  }
0xf: {  	s9 =	simm.s32 $0x1200;
	[sflag:s8] =	ssyncadd.s32 $0xFFFFF000  }
0x10: {  	[tilespmem:s9], [sflag:$0x1] =	stream.indirect.gather [hbm4b:s2+s6], $0x20, s6, s6, $0xb8;
	[tilespmem:$0x4200] =	vst v63  }
0x11: {  	_ =	swait.ge [sflag:s8], $0x1000  }
0x12: {  	s10 =	simm.s32 $0x100;
	s11 =	simm.s32 $0x2200;
	[sflag:s8] =	ssyncset.done $0x0  }
0x13: {  	s13 =	simm.s32 $0x3200;
	s16 =	ssub.s32 $0x2, s12;
	[sflag:s8] =	ssyncadd.s32 $0xFFFFF000  }
0x14: {  	[tilespmem:s11], [sflag:$0x1] =	stream.indirect.gather [hbm4b:s2+s6], $0x20, s10, s6, $0xb8;
	[tilespmem:$0x4200] =	vst v63  }
0x15: {  	s12 =	simm.s32 $0x180;
	s17 =	sshrl.u32 s16, $0x1;
	_ =	swait.ge [sflag:s8], $0x1000  }
0x16: {  	s15 =	sshll.u32 s15, $0x2;
	s31 =	ssub.s32 s16, s17;
	[sflag:s8] =	ssyncset.done $0x0  }
0x17: {  	s14 =	sadd.s32 s15, s14;
	s15 =	smax.u32 s31, $0x1;
	[sflag:s8] =	ssyncadd.s32 $0xFFFFF000  }
0x18: {  	[tilespmem:s13], [sflag:$0x1] =	stream.indirect.gather [hbm4b:s2+s6], $0x20, s12, s6, $0xb8;
	[tilespmem:$0x4200] =	vst v63  }
0x19: {  	p0 =	sne.s32 s15, $0x1;
	_ =	swait.ge [sflag:s8], $0x1000  }
.Ltmp0:
0x1a: {  	[sflag:s8] =	ssyncset.done $0x0;
	(pc) =	sbr.rel @!p0 .LBB2_2-.Ltmp0, $4  }
0x1b: {  	s14 =	sadd.s32 $0xC00, s14;
	[sflag:s8] =	ssyncadd.s32 $0xFFFFF000  }
0x1c: {  	[hbm4b:s14+s3] =	stream.linear.scatter [tilespmem:s7], [sflag:$0x2], $0x4000, $0x38;
	[tilespmem:$0x4200] =	vst v63  }
0x1d: {  	_ =	swait.ge [sflag:s4], $0x4000  }
0x1e: {  	s15 =	sadd.s32 $0xFFFFFFFF, s15;
	[sflag:s4] =	ssyncset.done $0x0  }
.LBB2_1:
0x1f: {  	p0 =	sne.s32 s15, $0x1;
	s15 =	sadd.s32 $0xFFFFFFFF, s15;
	[sflag:s4] =	ssyncadd.s32 $0xFFFFC000  }
0x20: {  	[tilespmem:s3], [sflag:$0x2] =	stream.linear.gather [hbm4b:s5+s3], $0x200, $0x38;
	[tilespmem:$0x4200] =	vst v63  }
0x21: {  	_ =	swait.ge [sflag:s4], $0x200  }
0x22: {  	[sflag:s4] =	ssyncset.done $0x0  }
0x23: {  	[sflag:s4] =	ssyncadd.s32 $0xFFFFFE00  }
0x24: {  	[tilespmem:s7], [sflag:$0x1] =	stream.indirect.gather [hbm4b:s2+s6], $0x20, s3, s6, $0xb8;
	[tilespmem:$0x4200] =	vst v63  }
0x25: {  	_ =	swait.ge [sflag:s8], $0x1000  }
0x26: {  	[sflag:s8] =	ssyncset.done $0x0  }
0x27: {  	[sflag:s8] =	ssyncadd.s32 $0xFFFFF000  }
0x28: {  	[tilespmem:s9], [sflag:$0x1] =	stream.indirect.gather [hbm4b:s2+s6], $0x20, s6, s6, $0xb8;
	[tilespmem:$0x4200] =	vst v63  }
0x29: {  	_ =	swait.ge [sflag:s8], $0x1000  }
0x2a: {  	[sflag:s8] =	ssyncset.done $0x0  }
0x2b: {  	[sflag:s8] =	ssyncadd.s32 $0xFFFFF000  }
0x2c: {  	[tilespmem:s11], [sflag:$0x1] =	stream.indirect.gather [hbm4b:s2+s6], $0x20, s10, s6, $0xb8;
	[tilespmem:$0x4200] =	vst v63  }
0x2d: {  	_ =	swait.ge [sflag:s8], $0x1000  }
0x2e: {  	[sflag:s8] =	ssyncset.done $0x0  }
0x2f: {  	[sflag:s8] =	ssyncadd.s32 $0xFFFFF000  }
0x30: {  	[tilespmem:s13], [sflag:$0x1] =	stream.indirect.gather [hbm4b:s2+s6], $0x20, s12, s6, $0xb8;
	[tilespmem:$0x4200] =	vst v63  }
0x31: {  	_ =	swait.ge [sflag:s8], $0x1000  }
.Ltmp1:
0x32: {  	[sflag:s8] =	ssyncset.done $0x0;
	(pc) =	sbr.rel @p0 .LBB2_1-.Ltmp1, $4  }
0x33: {  	[sflag:s8] =	ssyncadd.s32 $0xFFFFF000  }
0x34: {  	[hbm4b:s14+s3] =	stream.linear.scatter [tilespmem:s7], [sflag:$0x2], $0x4000, $0x38;
	[tilespmem:$0x4200] =	vst v63  }
0x35: {  	_ =	swait.ge [sflag:s4], $0x4000  }
0x36: {  	[sflag:s4] =	ssyncset.done $0x0  }
.LBB2_2:
0x37: {  	[sflag:s4] =	ssyncadd.s32 $0xFFFFC000  }
0x38: {  	_ =	sfence.sel $0x180000  }
0x39: {  	[bflag:$0x0] =	sbarrier.arrive $0xFFFF  }
0x3a: {  	p0 =	sne.s32 s0, $0x0;
	_ =	strace $0x90000047  }
0x3b: {  	s0 =	sadd.s32 @!p0 $0x100000, s1;
	[bflag:$0x2] =	sbarrier.arrive $0xFFFF  }
0x3c: {  	[sflag:s0] =	ssyncadd.tile.s32 @!p0 $0x1;
	_ =	shalt  }
.Lfunc_end2:
_tile_overlayer_lowered:
.L_overlay_start_2:
0x3d: {  	(tag) =	ssettag $0x2  }
0x3e: {  	s0 =	rddreg [dreg:$0x0];
	s2 =	stileid.u32  }
0x3f: {  	s1 =	rddreg [dreg:$0x1];
	p0 =	sne.s32 s2, $0x0  }
0x40: {  	s3 =	rddreg [dreg:$0x2];
	[bflag:$0x3] =	sbarrier.arrive $0xFFFF;
	s2 =	simm.s32 @!p0 $0x1C02  }
0x41: {  	[timem:s3], [sflag:s2] =	dma.local @!p0 [hbm:s0], s1  }
0x42: {  	s0 =	simm.s32 @!p0 $0x2  }
0x43: {  	_ =	swait.ge @!p0 [sflag:s0], s1  }
0x44: {  	s1 =	ssub.s32 @!p0 $0x0, s1;
	[sflag:s0] =	ssyncset.done @!p0 $0x0  }
0x45: {  	[sflag:s0] =	ssyncadd.s32 @!p0 s1  }
0x46: {  	[bflag:$0x3] =	sbarrier.arrive $0xFFFF  }
0x47: {  	_ =	shalt  }

</sc_bundles>
